<compile_context>
chip_gen: v7x
topology: tpu7x:2x2x1
jax: 0.10.2.dev20260603
libtpu: 0.0.44.dev20260713+nightly
codegen_flags: <defaults>
</compile_context>

<pallas_src>
import functools

import jax
import jax.numpy as jnp
from jax import lax
from jax.experimental import pallas as pl
from jax.experimental.pallas import tpu as pltpu
from jax.experimental.pallas import tpu_sc as plsc

_B = 16384
_V = 1000000
_D = 32
_LANES = 128
_TAIL_START = (_V // _LANES) * _LANES
_TAIL_LEN = _V - _TAIL_START
_LAST_SLAB = _TAIL_START - _LANES
_NBUF = 8


@functools.cache
def _build_gather():
    info = plsc.get_sparse_core_info()
    nc, ns = info.num_cores, info.num_subcores
    nw = nc * ns
    bpw = _B // nw
    mesh = plsc.VectorSubcoreMesh(core_axis_name="c", subcore_axis_name="s")

    @functools.partial(
        pl.kernel,
        mesh=mesh,
        compiler_params=pltpu.CompilerParams(needs_layout_passes=False),
        out_type=jax.ShapeDtypeStruct((_D, _B), jnp.float32),
        scratch_types=[
            pltpu.VMEM((bpw + 16,), jnp.int32),
            pltpu.VMEM((_NBUF, _D, _LANES), jnp.float32),
            pltpu.VMEM((_D, _TAIL_LEN), jnp.float32),
            pltpu.VMEM((_D, bpw), jnp.float32),
        ]
        + [pltpu.SemaphoreType.DMA] * _NBUF,
    )
    def gather(table_t, idx_hbm, tail_t, out_t, idx_v, slabs, tail_v,
               cols, *sems):
        wid = lax.axis_index("s") * nc + lax.axis_index("c")
        base = wid * bpw
        pltpu.sync_copy(idx_hbm.at[pl.ds(base, bpw)], idx_v.at[pl.ds(0, bpw)])
        pltpu.sync_copy(tail_t, tail_v)

        def idx_at(i):
            return idx_v[pl.ds(i, 16)][0]

        d0 = lax.iota(jnp.int32, 16)
        d1 = d0 + 16

        def slab_start(i):
            c = idx_at(i)
            t = jnp.minimum((c >> 7) << 7, _LAST_SLAB)
            return pl.multiple_of(t, _LANES)

        def fire(i, b):
            pltpu.async_copy(
                table_t.at[:, pl.ds(slab_start(i), _LANES)],
                slabs.at[b],
                sems[b],
            )

        def extract(i, b):
            c = idx_at(i)
            t = jnp.minimum((c >> 7) << 7, _LAST_SLAB)
            l = jnp.minimum(c - t, _LANES - 1)
            lvec = jnp.full((16,), l, jnp.int32)
            ltail = jnp.full(
                (16,),
                jnp.clip(c - _TAIL_START, 0, _TAIL_LEN - 1),
                jnp.int32,
            )
            use_tail = jnp.full((16,), c >= _TAIL_START, jnp.bool_)
            ivec = jnp.full((16,), i, jnp.int32)
            for dvec in (d0, d1):
                v = plsc.load_gather(slabs.at[b], [dvec, lvec])
                u = plsc.load_gather(tail_v, [dvec, ltail])
                plsc.store_scatter(
                    cols, [dvec, ivec], jnp.where(use_tail, u, v)
                )

        for b in range(_NBUF):
            fire(b, b)

        def steady(j, carry):
            i = j * _NBUF
            for b in range(_NBUF):
                pltpu.make_async_copy(
                    table_t.at[:, pl.ds(0, _LANES)], slabs.at[b], sems[b]
                ).wait()
                extract(i + b, b)

                @pl.when(i + b + _NBUF < bpw)
                def _():
                    fire(i + b + _NBUF, b)

            return carry

        lax.fori_loop(0, bpw // _NBUF, steady, 0)
        pltpu.sync_copy(cols, out_t.at[:, pl.ds(base, bpw)])

    return gather, nw


def kernel(condition, emb_table):
    gather, _ = _build_gather()
    table_t = emb_table.T
    tail_t = table_t[:, _TAIL_START:]
    idx = condition.astype(jnp.int32)
    return gather(table_t, idx, tail_t).T

# --- scband reference (transcript-rebuilt; emitter-appended) ---
"""Pipeline reference for scband-label-embedder-topcon-17188459118626 (READ-ONLY COPY).

The authoritative reference and input builder live on the scoring server;
editing this copy changes nothing except your own understanding.
"""

import jax, jax.numpy as jnp
import numpy as np

NUM_CLASSES = 1000000
EMB_DIM = 32
BATCH = 16384

def setup_inputs(seed: int = 0) -> dict:
    key = jax.random.key(seed)
    k1, k2 = jax.random.split(key)
    condition = jax.random.randint(k1, (BATCH,), 0, NUM_CLASSES, dtype=jnp.int64 if jax.config.jax_enable_x64 else jnp.int32)
    emb_table = jax.random.normal(k2, (NUM_CLASSES, EMB_DIM), dtype=jnp.float32)
    return {"condition": condition, "emb_table": emb_table}

def reference(condition, emb_table):
    # nn.Embedding lookup: c = emb_net(target)
    c = jnp.take(emb_table, condition, axis=0)
    return c

if __name__ == "__main__":
    import jax
    _d = setup_inputs()
    print(jax.jit(kernel)(*tuple(_d.values())))

</pallas_src>

<mosaic_0001>
#map = affine_map<(d0, d1) -> (0, 0)>
#map1 = affine_map<(d0, d1) -> (0)>
module attributes {stable_mosaic.version = 14 : i64} {
  func.func @gather(%arg0: i32, %arg1: i32, %arg2: memref<32x1000000xf32, #tpu.memory_space<hbm>>, %arg3: memref<16384xi32, #tpu.memory_space<hbm>>, %arg4: memref<32x64xf32, #tpu.memory_space<hbm>>, %arg5: memref<32x16384xf32, #tpu.memory_space<hbm>>, %arg6: memref<528xi32, #tpu.memory_space<vmem>>, %arg7: memref<8x32x128xf32, #tpu.memory_space<vmem>>, %arg8: memref<32x64xf32, #tpu.memory_space<vmem>>, %arg9: memref<32x512xf32, #tpu.memory_space<vmem>>, %arg10: memref<!tpu.dma_semaphore, #tpu.memory_space<semaphore_mem>>, %arg11: memref<!tpu.dma_semaphore, #tpu.memory_space<semaphore_mem>>, %arg12: memref<!tpu.dma_semaphore, #tpu.memory_space<semaphore_mem>>, %arg13: memref<!tpu.dma_semaphore, #tpu.memory_space<semaphore_mem>>, %arg14: memref<!tpu.dma_semaphore, #tpu.memory_space<semaphore_mem>>, %arg15: memref<!tpu.dma_semaphore, #tpu.memory_space<semaphore_mem>>, %arg16: memref<!tpu.dma_semaphore, #tpu.memory_space<semaphore_mem>>, %arg17: memref<!tpu.dma_semaphore, #tpu.memory_space<semaphore_mem>>) attributes {dimension_semantics = [#tpu.dimension_semantics<core_parallel>, #tpu.dimension_semantics<subcore_parallel>], iteration_bounds = array<i64: 2, 16>, scalar_prefetch = 0 : i64, scratch_operands = 12 : i64, tpu.core_type = #tpu.core_type<sc_vector_subcore>, window_params = [{transform_indices = #map}, {transform_indices = #map1}, {transform_indices = #map}, {transform_indices = #map}]} {
    %mul3A = arith.constant 2 : i32
    %mul3A_0 = arith.muli %arg1, %mul3A : i32
    %add3A = arith.addi %mul3A_0, %arg0 : i32
    %mul3A_1 = arith.constant 512 : i32
    %mul3A_2 = arith.muli %add3A, %mul3A_1 : i32
    "tpu.region"() ({
      %run_scoped3A = tpu.sem_alloc : memref<!tpu.dma_semaphore, #tpu.memory_space<semaphore_mem>>
      %dma_start3A_195 = arith.constant 0 : i32
      %dma_start3A_196 = tpu.memref_slice %arg6[%dma_start3A_195] : memref<528xi32, #tpu.memory_space<vmem>> -> memref<512xi32, #tpu.memory_space<vmem>>
      %dma_start3A_197 = tpu.memref_slice %arg3[%mul3A_2] : memref<16384xi32, #tpu.memory_space<hbm>> -> memref<512xi32, #tpu.memory_space<hbm>>
      %dma_start3A_198 = arith.constant 0 : i32
      %dma_start3A_199 = tpu.memref_slice %arg6[%dma_start3A_198] : memref<528xi32, #tpu.memory_space<vmem>> -> memref<512xi32, #tpu.memory_space<vmem>>
      %dma_start3A_200 = tpu.memref_slice %arg3[%mul3A_2] : memref<16384xi32, #tpu.memory_space<hbm>> -> memref<512xi32, #tpu.memory_space<hbm>>
      tpu.enqueue_dma source(%dma_start3A_200 : memref<512xi32, #tpu.memory_space<hbm>>) target(%dma_start3A_199 : memref<512xi32, #tpu.memory_space<vmem>>) target_semaphore(%run_scoped3A : memref<!tpu.dma_semaphore, #tpu.memory_space<semaphore_mem>>)
      %dma_wait3A = arith.constant 0 : i32
      %dma_wait3A_201 = tpu.memref_slice %arg6[%dma_wait3A] : memref<528xi32, #tpu.memory_space<vmem>> -> memref<512xi32, #tpu.memory_space<vmem>>
      %dma_wait3A_202 = tpu.memref_slice %arg3[%mul3A_2] : memref<16384xi32, #tpu.memory_space<hbm>> -> memref<512xi32, #tpu.memory_space<hbm>>
      %dma_wait3A_203 = arith.constant 0 : i32
      %dma_wait3A_204 = tpu.memref_slice %arg6[%dma_wait3A_203] : memref<528xi32, #tpu.memory_space<vmem>> -> memref<512xi32, #tpu.memory_space<vmem>>
      %dma_wait3A_205 = tpu.memref_slice %arg3[%mul3A_2] : memref<16384xi32, #tpu.memory_space<hbm>> -> memref<512xi32, #tpu.memory_space<hbm>>
      tpu.wait_dma2 semaphore(%run_scoped3A : memref<!tpu.dma_semaphore, #tpu.memory_space<semaphore_mem>>) src(%dma_wait3A_205 : memref<512xi32, #tpu.memory_space<hbm>>) dst(%dma_wait3A_204 : memref<512xi32, #tpu.memory_space<vmem>>)
      tpu.yield
    }) : () -> ()
    "tpu.region"() ({
      %run_scoped3A = tpu.sem_alloc : memref<!tpu.dma_semaphore, #tpu.memory_space<semaphore_mem>>
      tpu.enqueue_dma source(%arg4 : memref<32x64xf32, #tpu.memory_space<hbm>>) target(%arg8 : memref<32x64xf32, #tpu.memory_space<vmem>>) target_semaphore(%run_scoped3A : memref<!tpu.dma_semaphore, #tpu.memory_space<semaphore_mem>>)
      tpu.wait_dma2 semaphore(%run_scoped3A : memref<!tpu.dma_semaphore, #tpu.memory_space<semaphore_mem>>) src(%arg4 : memref<32x64xf32, #tpu.memory_space<hbm>>) dst(%arg8 : memref<32x64xf32, #tpu.memory_space<vmem>>)
      tpu.yield
    }) : () -> ()
    %iota3A = tpu.iota {dimensions = array<i32: 0>} : vector<16xi32>
    %add3A_3 = arith.constant 16 : i32
    %add3A_4 = vector.broadcast %add3A_3 : i32 to vector<16xi32>
    %add3A_5 = arith.addi %iota3A, %add3A_4 : vector<16xi32>
    %get3A = arith.constant 0 : index
    %get3A_6 = tpu.vector_load %arg6[%get3A] {strides = array<i32>} : memref<528xi32, #tpu.memory_space<vmem>>, vector<16xi32>,
    %slice3A = vector.extract_strided_slice %get3A_6 {offsets = [0], sizes = [1], strides = [1]} : vector<16xi32> to vector<1xi32>
    %squeeze3A = vector.extract %slice3A[0] : i32 from vector<1xi32>
    %shift_right_arithmetic3A = arith.constant 7 : i32
    %shift_right_arithmetic3A_7 = arith.shrsi %squeeze3A, %shift_right_arithmetic3A : i32
    %shift_left3A = arith.constant 7 : i32
    %shift_left3A_8 = arith.shli %shift_right_arithmetic3A_7, %shift_left3A : i32
    %min3A = arith.constant 999808 : i32
    %min3A_9 = arith.minsi %shift_left3A_8, %min3A : i32
    %multiple_of3A = tpu.assume_multiple %min3A_9, 128 : i32
    %dma_start3A = arith.constant 0 : i32
    %dma_start3A_10 = arith.constant 0 : i32
    %dma_start3A_11 = arith.constant 0 : i32
    %dma_start3A_12 = tpu.memref_slice %arg7[%dma_start3A, %dma_start3A_10, %dma_start3A_11] : memref<8x32x128xf32, #tpu.memory_space<vmem>> -> memref<1x32x128xf32, #tpu.memory_space<vmem>>
    %dma_start3A_13 = tpu.memref_squeeze %dma_start3A_12 : memref<1x32x128xf32, #tpu.memory_space<vmem>> -> memref<32x128xf32, #tpu.memory_space<vmem>>
    %dma_start3A_14 = arith.constant 0 : i32
    %dma_start3A_15 = tpu.memref_slice %arg2[%dma_start3A_14, %multiple_of3A] : memref<32x1000000xf32, #tpu.memory_space<hbm>> -> memref<32x128xf32, #tpu.memory_space<hbm>>
    %dma_start3A_16 = arith.constant 0 : i32
    %dma_start3A_17 = arith.constant 0 : i32
    %dma_start3A_18 = tpu.memref_slice %arg7[%dma_start3A, %dma_start3A_16, %dma_start3A_17] : memref<8x32x128xf32, #tpu.memory_space<vmem>> -> memref<1x32x128xf32, #tpu.memory_space<vmem>>
    %dma_start3A_19 = tpu.memref_squeeze %dma_start3A_18 : memref<1x32x128xf32, #tpu.memory_space<vmem>> -> memref<32x128xf32, #tpu.memory_space<vmem>>
    %dma_start3A_20 = arith.constant 0 : i32
    %dma_start3A_21 = tpu.memref_slice %arg2[%dma_start3A_20, %multiple_of3A] : memref<32x1000000xf32, #tpu.memory_space<hbm>> -> memref<32x128xf32, #tpu.memory_space<hbm>>
    tpu.enqueue_dma source(%dma_start3A_21 : memref<32x128xf32, #tpu.memory_space<hbm>>) target(%dma_start3A_19 : memref<32x128xf32, #tpu.memory_space<vmem>>) target_semaphore(%arg10 : memref<!tpu.dma_semaphore, #tpu.memory_space<semaphore_mem>>)
    %get3A_22 = arith.constant 1 : index
    %get3A_23 = tpu.vector_load %arg6[%get3A_22] {strides = array<i32>} : memref<528xi32, #tpu.memory_space<vmem>>, vector<16xi32>,
    %slice3A_24 = vector.extract_strided_slice %get3A_23 {offsets = [0], sizes = [1], strides = [1]} : vector<16xi32> to vector<1xi32>
    %squeeze3A_25 = vector.extract %slice3A_24[0] : i32 from vector<1xi32>
    %shift_right_arithmetic3A_26 = arith.constant 7 : i32
    %shift_right_arithmetic3A_27 = arith.shrsi %squeeze3A_25, %shift_right_arithmetic3A_26 : i32
    %shift_left3A_28 = arith.constant 7 : i32
    %shift_left3A_29 = arith.shli %shift_right_arithmetic3A_27, %shift_left3A_28 : i32
    %min3A_30 = arith.constant 999808 : i32
    %min3A_31 = arith.minsi %shift_left3A_29, %min3A_30 : i32
    %multiple_of3A_32 = tpu.assume_multiple %min3A_31, 128 : i32
    %dma_start3A_33 = arith.constant 1 : i32
    %dma_start3A_34 = arith.constant 0 : i32
    %dma_start3A_35 = arith.constant 0 : i32
    %dma_start3A_36 = tpu.memref_slice %arg7[%dma_start3A_33, %dma_start3A_34, %dma_start3A_35] : memref<8x32x128xf32, #tpu.memory_space<vmem>> -> memref<1x32x128xf32, #tpu.memory_space<vmem>>
    %dma_start3A_37 = tpu.memref_squeeze %dma_start3A_36 : memref<1x32x128xf32, #tpu.memory_space<vmem>> -> memref<32x128xf32, #tpu.memory_space<vmem>>
    %dma_start3A_38 = arith.constant 0 : i32
    %dma_start3A_39 = tpu.memref_slice %arg2[%dma_start3A_38, %multiple_of3A_32] : memref<32x1000000xf32, #tpu.memory_space<hbm>> -> memref<32x128xf32, #tpu.memory_space<hbm>>
    %dma_start3A_40 = arith.constant 0 : i32
    %dma_start3A_41 = arith.constant 0 : i32
    %dma_start3A_42 = tpu.memref_slice %arg7[%dma_start3A_33, %dma_start3A_40, %dma_start3A_41] : memref<8x32x128xf32, #tpu.memory_space<vmem>> -> memref<1x32x128xf32, #tpu.memory_space<vmem>>
    %dma_start3A_43 = tpu.memref_squeeze %dma_start3A_42 : memref<1x32x128xf32, #tpu.memory_space<vmem>> -> memref<32x128xf32, #tpu.memory_space<vmem>>
    %dma_start3A_44 = arith.constant 0 : i32
    %dma_start3A_45 = tpu.memref_slice %arg2[%dma_start3A_44, %multiple_of3A_32] : memref<32x1000000xf32, #tpu.memory_space<hbm>> -> memref<32x128xf32, #tpu.memory_space<hbm>>
    tpu.enqueue_dma source(%dma_start3A_45 : memref<32x128xf32, #tpu.memory_space<hbm>>) target(%dma_start3A_43 : memref<32x128xf32, #tpu.memory_space<vmem>>) target_semaphore(%arg11 : memref<!tpu.dma_semaphore, #tpu.memory_space<semaphore_mem>>)
    %get3A_46 = arith.constant 2 : index
    %get3A_47 = tpu.vector_load %arg6[%get3A_46] {strides = array<i32>} : memref<528xi32, #tpu.memory_space<vmem>>, vector<16xi32>,
    %slice3A_48 = vector.extract_strided_slice %get3A_47 {offsets = [0], sizes = [1], strides = [1]} : vector<16xi32> to vector<1xi32>
    %squeeze3A_49 = vector.extract %slice3A_48[0] : i32 from vector<1xi32>
    %shift_right_arithmetic3A_50 = arith.constant 7 : i32
    %shift_right_arithmetic3A_51 = arith.shrsi %squeeze3A_49, %shift_right_arithmetic3A_50 : i32
    %shift_left3A_52 = arith.constant 7 : i32
    %shift_left3A_53 = arith.shli %shift_right_arithmetic3A_51, %shift_left3A_52 : i32
    %min3A_54 = arith.constant 999808 : i32
    %min3A_55 = arith.minsi %shift_left3A_53, %min3A_54 : i32
    %multiple_of3A_56 = tpu.assume_multiple %min3A_55, 128 : i32
    %dma_start3A_57 = arith.constant 2 : i32
    %dma_start3A_58 = arith.constant 0 : i32
    %dma_start3A_59 = arith.constant 0 : i32
    %dma_start3A_60 = tpu.memref_slice %arg7[%dma_start3A_57, %dma_start3A_58, %dma_start3A_59] : memref<8x32x128xf32, #tpu.memory_space<vmem>> -> memref<1x32x128xf32, #tpu.memory_space<vmem>>
    %dma_start3A_61 = tpu.memref_squeeze %dma_start3A_60 : memref<1x32x128xf32, #tpu.memory_space<vmem>> -> memref<32x128xf32, #tpu.memory_space<vmem>>
    %dma_start3A_62 = arith.constant 0 : i32
    %dma_start3A_63 = tpu.memref_slice %arg2[%dma_start3A_62, %multiple_of3A_56] : memref<32x1000000xf32, #tpu.memory_space<hbm>> -> memref<32x128xf32, #tpu.memory_space<hbm>>
    %dma_start3A_64 = arith.constant 0 : i32
    %dma_start3A_65 = arith.constant 0 : i32
    %dma_start3A_66 = tpu.memref_slice %arg7[%dma_start3A_57, %dma_start3A_64, %dma_start3A_65] : memref<8x32x128xf32, #tpu.memory_space<vmem>> -> memref<1x32x128xf32, #tpu.memory_space<vmem>>
    %dma_start3A_67 = tpu.memref_squeeze %dma_start3A_66 : memref<1x32x128xf32, #tpu.memory_space<vmem>> -> memref<32x128xf32, #tpu.memory_space<vmem>>
    %dma_start3A_68 = arith.constant 0 : i32
    %dma_start3A_69 = tpu.memref_slice %arg2[%dma_start3A_68, %multiple_of3A_56] : memref<32x1000000xf32, #tpu.memory_space<hbm>> -> memref<32x128xf32, #tpu.memory_space<hbm>>
    tpu.enqueue_dma source(%dma_start3A_69 : memref<32x128xf32, #tpu.memory_space<hbm>>) target(%dma_start3A_67 : memref<32x128xf32, #tpu.memory_space<vmem>>) target_semaphore(%arg12 : memref<!tpu.dma_semaphore, #tpu.memory_space<semaphore_mem>>)
    %get3A_70 = arith.constant 3 : index
    %get3A_71 = tpu.vector_load %arg6[%get3A_70] {strides = array<i32>} : memref<528xi32, #tpu.memory_space<vmem>>, vector<16xi32>,
    %slice3A_72 = vector.extract_strided_slice %get3A_71 {offsets = [0], sizes = [1], strides = [1]} : vector<16xi32> to vector<1xi32>
    %squeeze3A_73 = vector.extract %slice3A_72[0] : i32 from vector<1xi32>
    %shift_right_arithmetic3A_74 = arith.constant 7 : i32
    %shift_right_arithmetic3A_75 = arith.shrsi %squeeze3A_73, %shift_right_arithmetic3A_74 : i32
    %shift_left3A_76 = arith.constant 7 : i32
    %shift_left3A_77 = arith.shli %shift_right_arithmetic3A_75, %shift_left3A_76 : i32
    %min3A_78 = arith.constant 999808 : i32
    %min3A_79 = arith.minsi %shift_left3A_77, %min3A_78 : i32
    %multiple_of3A_80 = tpu.assume_multiple %min3A_79, 128 : i32
    %dma_start3A_81 = arith.constant 3 : i32
    %dma_start3A_82 = arith.constant 0 : i32
    %dma_start3A_83 = arith.constant 0 : i32
    %dma_start3A_84 = tpu.memref_slice %arg7[%dma_start3A_81, %dma_start3A_82, %dma_start3A_83] : memref<8x32x128xf32, #tpu.memory_space<vmem>> -> memref<1x32x128xf32, #tpu.memory_space<vmem>>
    %dma_start3A_85 = tpu.memref_squeeze %dma_start3A_84 : memref<1x32x128xf32, #tpu.memory_space<vmem>> -> memref<32x128xf32, #tpu.memory_space<vmem>>
    %dma_start3A_86 = arith.constant 0 : i32
    %dma_start3A_87 = tpu.memref_slice %arg2[%dma_start3A_86, %multiple_of3A_80] : memref<32x1000000xf32, #tpu.memory_space<hbm>> -> memref<32x128xf32, #tpu.memory_space<hbm>>
    %dma_start3A_88 = arith.constant 0 : i32
    %dma_start3A_89 = arith.constant 0 : i32
    %dma_start3A_90 = tpu.memref_slice %arg7[%dma_start3A_81, %dma_start3A_88, %dma_start3A_89] : memref<8x32x128xf32, #tpu.memory_space<vmem>> -> memref<1x32x128xf32, #tpu.memory_space<vmem>>
    %dma_start3A_91 = tpu.memref_squeeze %dma_start3A_90 : memref<1x32x128xf32, #tpu.memory_space<vmem>> -> memref<32x128xf32, #tpu.memory_space<vmem>>
    %dma_start3A_92 = arith.constant 0 : i32
    %dma_start3A_93 = tpu.memref_slice %arg2[%dma_start3A_92, %multiple_of3A_80] : memref<32x1000000xf32, #tpu.memory_space<hbm>> -> memref<32x128xf32, #tpu.memory_space<hbm>>
    tpu.enqueue_dma source(%dma_start3A_93 : memref<32x128xf32, #tpu.memory_space<hbm>>) target(%dma_start3A_91 : memref<32x128xf32, #tpu.memory_space<vmem>>) target_semaphore(%arg13 : memref<!tpu.dma_semaphore, #tpu.memory_space<semaphore_mem>>)
    %get3A_94 = arith.constant 4 : index
    %get3A_95 = tpu.vector_load %arg6[%get3A_94] {strides = array<i32>} : memref<528xi32, #tpu.memory_space<vmem>>, vector<16xi32>,
    %slice3A_96 = vector.extract_strided_slice %get3A_95 {offsets = [0], sizes = [1], strides = [1]} : vector<16xi32> to vector<1xi32>
    %squeeze3A_97 = vector.extract %slice3A_96[0] : i32 from vector<1xi32>
    %shift_right_arithmetic3A_98 = arith.constant 7 : i32
    %shift_right_arithmetic3A_99 = arith.shrsi %squeeze3A_97, %shift_right_arithmetic3A_98 : i32
    %shift_left3A_100 = arith.constant 7 : i32
    %shift_left3A_101 = arith.shli %shift_right_arithmetic3A_99, %shift_left3A_100 : i32
    %min3A_102 = arith.constant 999808 : i32
    %min3A_103 = arith.minsi %shift_left3A_101, %min3A_102 : i32
    %multiple_of3A_104 = tpu.assume_multiple %min3A_103, 128 : i32
    %dma_start3A_105 = arith.constant 4 : i32
    %dma_start3A_106 = arith.constant 0 : i32
    %dma_start3A_107 = arith.constant 0 : i32
    %dma_start3A_108 = tpu.memref_slice %arg7[%dma_start3A_105, %dma_start3A_106, %dma_start3A_107] : memref<8x32x128xf32, #tpu.memory_space<vmem>> -> memref<1x32x128xf32, #tpu.memory_space<vmem>>
    %dma_start3A_109 = tpu.memref_squeeze %dma_start3A_108 : memref<1x32x128xf32, #tpu.memory_space<vmem>> -> memref<32x128xf32, #tpu.memory_space<vmem>>
    %dma_start3A_110 = arith.constant 0 : i32
    %dma_start3A_111 = tpu.memref_slice %arg2[%dma_start3A_110, %multiple_of3A_104] : memref<32x1000000xf32, #tpu.memory_space<hbm>> -> memref<32x128xf32, #tpu.memory_space<hbm>>
    %dma_start3A_112 = arith.constant 0 : i32
    %dma_start3A_113 = arith.constant 0 : i32
    %dma_start3A_114 = tpu.memref_slice %arg7[%dma_start3A_105, %dma_start3A_112, %dma_start3A_113] : memref<8x32x128xf32, #tpu.memory_space<vmem>> -> memref<1x32x128xf32, #tpu.memory_space<vmem>>
    %dma_start3A_115 = tpu.memref_squeeze %dma_start3A_114 : memref<1x32x128xf32, #tpu.memory_space<vmem>> -> memref<32x128xf32, #tpu.memory_space<vmem>>
    %dma_start3A_116 = arith.constant 0 : i32
    %dma_start3A_117 = tpu.memref_slice %arg2[%dma_start3A_116, %multiple_of3A_104] : memref<32x1000000xf32, #tpu.memory_space<hbm>> -> memref<32x128xf32, #tpu.memory_space<hbm>>
    tpu.enqueue_dma source(%dma_start3A_117 : memref<32x128xf32, #tpu.memory_space<hbm>>) target(%dma_start3A_115 : memref<32x128xf32, #tpu.memory_space<vmem>>) target_semaphore(%arg14 : memref<!tpu.dma_semaphore, #tpu.memory_space<semaphore_mem>>)
    %get3A_118 = arith.constant 5 : index
    %get3A_119 = tpu.vector_load %arg6[%get3A_118] {strides = array<i32>} : memref<528xi32, #tpu.memory_space<vmem>>, vector<16xi32>,
    %slice3A_120 = vector.extract_strided_slice %get3A_119 {offsets = [0], sizes = [1], strides = [1]} : vector<16xi32> to vector<1xi32>
    %squeeze3A_121 = vector.extract %slice3A_120[0] : i32 from vector<1xi32>
    %shift_right_arithmetic3A_122 = arith.constant 7 : i32
    %shift_right_arithmetic3A_123 = arith.shrsi %squeeze3A_121, %shift_right_arithmetic3A_122 : i32
    %shift_left3A_124 = arith.constant 7 : i32
    %shift_left3A_125 = arith.shli %shift_right_arithmetic3A_123, %shift_left3A_124 : i32
    %min3A_126 = arith.constant 999808 : i32
    %min3A_127 = arith.minsi %shift_left3A_125, %min3A_126 : i32
    %multiple_of3A_128 = tpu.assume_multiple %min3A_127, 128 : i32
    %dma_start3A_129 = arith.constant 5 : i32
    %dma_start3A_130 = arith.constant 0 : i32
    %dma_start3A_131 = arith.constant 0 : i32
    %dma_start3A_132 = tpu.memref_slice %arg7[%dma_start3A_129, %dma_start3A_130, %dma_start3A_131] : memref<8x32x128xf32, #tpu.memory_space<vmem>> -> memref<1x32x128xf32, #tpu.memory_space<vmem>>
    %dma_start3A_133 = tpu.memref_squeeze %dma_start3A_132 : memref<1x32x128xf32, #tpu.memory_space<vmem>> -> memref<32x128xf32, #tpu.memory_space<vmem>>
    %dma_start3A_134 = arith.constant 0 : i32
    %dma_start3A_135 = tpu.memref_slice %arg2[%dma_start3A_134, %multiple_of3A_128] : memref<32x1000000xf32, #tpu.memory_space<hbm>> -> memref<32x128xf32, #tpu.memory_space<hbm>>
    %dma_start3A_136 = arith.constant 0 : i32
    %dma_start3A_137 = arith.constant 0 : i32
    %dma_start3A_138 = tpu.memref_slice %arg7[%dma_start3A_129, %dma_start3A_136, %dma_start3A_137] : memref<8x32x128xf32, #tpu.memory_space<vmem>> -> memref<1x32x128xf32, #tpu.memory_space<vmem>>
    %dma_start3A_139 = tpu.memref_squeeze %dma_start3A_138 : memref<1x32x128xf32, #tpu.memory_space<vmem>> -> memref<32x128xf32, #tpu.memory_space<vmem>>
    %dma_start3A_140 = arith.constant 0 : i32
    %dma_start3A_141 = tpu.memref_slice %arg2[%dma_start3A_140, %multiple_of3A_128] : memref<32x1000000xf32, #tpu.memory_space<hbm>> -> memref<32x128xf32, #tpu.memory_space<hbm>>
    tpu.enqueue_dma source(%dma_start3A_141 : memref<32x128xf32, #tpu.memory_space<hbm>>) target(%dma_start3A_139 : memref<32x128xf32, #tpu.memory_space<vmem>>) target_semaphore(%arg15 : memref<!tpu.dma_semaphore, #tpu.memory_space<semaphore_mem>>)
    %get3A_142 = arith.constant 6 : index
    %get3A_143 = tpu.vector_load %arg6[%get3A_142] {strides = array<i32>} : memref<528xi32, #tpu.memory_space<vmem>>, vector<16xi32>,
    %slice3A_144 = vector.extract_strided_slice %get3A_143 {offsets = [0], sizes = [1], strides = [1]} : vector<16xi32> to vector<1xi32>
    %squeeze3A_145 = vector.extract %slice3A_144[0] : i32 from vector<1xi32>
    %shift_right_arithmetic3A_146 = arith.constant 7 : i32
    %shift_right_arithmetic3A_147 = arith.shrsi %squeeze3A_145, %shift_right_arithmetic3A_146 : i32
    %shift_left3A_148 = arith.constant 7 : i32
    %shift_left3A_149 = arith.shli %shift_right_arithmetic3A_147, %shift_left3A_148 : i32
    %min3A_150 = arith.constant 999808 : i32
    %min3A_151 = arith.minsi %shift_left3A_149, %min3A_150 : i32
    %multiple_of3A_152 = tpu.assume_multiple %min3A_151, 128 : i32
    %dma_start3A_153 = arith.constant 6 : i32
    %dma_start3A_154 = arith.constant 0 : i32
    %dma_start3A_155 = arith.constant 0 : i32
    %dma_start3A_156 = tpu.memref_slice %arg7[%dma_start3A_153, %dma_start3A_154, %dma_start3A_155] : memref<8x32x128xf32, #tpu.memory_space<vmem>> -> memref<1x32x128xf32, #tpu.memory_space<vmem>>
    %dma_start3A_157 = tpu.memref_squeeze %dma_start3A_156 : memref<1x32x128xf32, #tpu.memory_space<vmem>> -> memref<32x128xf32, #tpu.memory_space<vmem>>
    %dma_start3A_158 = arith.constant 0 : i32
    %dma_start3A_159 = tpu.memref_slice %arg2[%dma_start3A_158, %multiple_of3A_152] : memref<32x1000000xf32, #tpu.memory_space<hbm>> -> memref<32x128xf32, #tpu.memory_space<hbm>>
    %dma_start3A_160 = arith.constant 0 : i32
    %dma_start3A_161 = arith.constant 0 : i32
    %dma_start3A_162 = tpu.memref_slice %arg7[%dma_start3A_153, %dma_start3A_160, %dma_start3A_161] : memref<8x32x128xf32, #tpu.memory_space<vmem>> -> memref<1x32x128xf32, #tpu.memory_space<vmem>>
    %dma_start3A_163 = tpu.memref_squeeze %dma_start3A_162 : memref<1x32x128xf32, #tpu.memory_space<vmem>> -> memref<32x128xf32, #tpu.memory_space<vmem>>
    %dma_start3A_164 = arith.constant 0 : i32
    %dma_start3A_165 = tpu.memref_slice %arg2[%dma_start3A_164, %multiple_of3A_152] : memref<32x1000000xf32, #tpu.memory_space<hbm>> -> memref<32x128xf32, #tpu.memory_space<hbm>>
    tpu.enqueue_dma source(%dma_start3A_165 : memref<32x128xf32, #tpu.memory_space<hbm>>) target(%dma_start3A_163 : memref<32x128xf32, #tpu.memory_space<vmem>>) target_semaphore(%arg16 : memref<!tpu.dma_semaphore, #tpu.memory_space<semaphore_mem>>)
    %get3A_166 = arith.constant 7 : index
    %get3A_167 = tpu.vector_load %arg6[%get3A_166] {strides = array<i32>} : memref<528xi32, #tpu.memory_space<vmem>>, vector<16xi32>,
    %slice3A_168 = vector.extract_strided_slice %get3A_167 {offsets = [0], sizes = [1], strides = [1]} : vector<16xi32> to vector<1xi32>
    %squeeze3A_169 = vector.extract %slice3A_168[0] : i32 from vector<1xi32>
    %shift_right_arithmetic3A_170 = arith.constant 7 : i32
    %shift_right_arithmetic3A_171 = arith.shrsi %squeeze3A_169, %shift_right_arithmetic3A_170 : i32
    %shift_left3A_172 = arith.constant 7 : i32
    %shift_left3A_173 = arith.shli %shift_right_arithmetic3A_171, %shift_left3A_172 : i32
    %min3A_174 = arith.constant 999808 : i32
    %min3A_175 = arith.minsi %shift_left3A_173, %min3A_174 : i32
    %multiple_of3A_176 = tpu.assume_multiple %min3A_175, 128 : i32
    %dma_start3A_177 = arith.constant 7 : i32
    %dma_start3A_178 = arith.constant 0 : i32
    %dma_start3A_179 = arith.constant 0 : i32
    %dma_start3A_180 = tpu.memref_slice %arg7[%dma_start3A_177, %dma_start3A_178, %dma_start3A_179] : memref<8x32x128xf32, #tpu.memory_space<vmem>> -> memref<1x32x128xf32, #tpu.memory_space<vmem>>
    %dma_start3A_181 = tpu.memref_squeeze %dma_start3A_180 : memref<1x32x128xf32, #tpu.memory_space<vmem>> -> memref<32x128xf32, #tpu.memory_space<vmem>>
    %dma_start3A_182 = arith.constant 0 : i32
    %dma_start3A_183 = tpu.memref_slice %arg2[%dma_start3A_182, %multiple_of3A_176] : memref<32x1000000xf32, #tpu.memory_space<hbm>> -> memref<32x128xf32, #tpu.memory_space<hbm>>
    %dma_start3A_184 = arith.constant 0 : i32
    %dma_start3A_185 = arith.constant 0 : i32
    %dma_start3A_186 = tpu.memref_slice %arg7[%dma_start3A_177, %dma_start3A_184, %dma_start3A_185] : memref<8x32x128xf32, #tpu.memory_space<vmem>> -> memref<1x32x128xf32, #tpu.memory_space<vmem>>
    %dma_start3A_187 = tpu.memref_squeeze %dma_start3A_186 : memref<1x32x128xf32, #tpu.memory_space<vmem>> -> memref<32x128xf32, #tpu.memory_space<vmem>>
    %dma_start3A_188 = arith.constant 0 : i32
    %dma_start3A_189 = tpu.memref_slice %arg2[%dma_start3A_188, %multiple_of3A_176] : memref<32x1000000xf32, #tpu.memory_space<hbm>> -> memref<32x128xf32, #tpu.memory_space<hbm>>
    tpu.enqueue_dma source(%dma_start3A_189 : memref<32x128xf32, #tpu.memory_space<hbm>>) target(%dma_start3A_187 : memref<32x128xf32, #tpu.memory_space<vmem>>) target_semaphore(%arg17 : memref<!tpu.dma_semaphore, #tpu.memory_space<semaphore_mem>>)
    %scan3A = arith.constant 0 : i32
    %scan3A_190 = arith.constant 0 : i32
    %scan3A_191 = arith.constant 64 : i32
    %scan3A_192 = arith.addi %scan3A_190, %scan3A_191 : i32
    %scan3A_193 = arith.constant 1 : i32
    scf.for %scan3A_195 = %scan3A_190 to %scan3A_192 step %scan3A_193  : i32 {
      %mul3A_196 = arith.constant 8 : i32
      %mul3A_197 = arith.muli %scan3A_195, %mul3A_196 : i32
      %dma_wait3A = arith.constant 0 : i32
      %dma_wait3A_198 = arith.constant 0 : i32
      %dma_wait3A_199 = arith.constant 0 : i32
      %dma_wait3A_200 = tpu.memref_slice %arg7[%dma_wait3A, %dma_wait3A_198, %dma_wait3A_199] : memref<8x32x128xf32, #tpu.memory_space<vmem>> -> memref<1x32x128xf32, #tpu.memory_space<vmem>>
      %dma_wait3A_201 = tpu.memref_squeeze %dma_wait3A_200 : memref<1x32x128xf32, #tpu.memory_space<vmem>> -> memref<32x128xf32, #tpu.memory_space<vmem>>
      %dma_wait3A_202 = arith.constant 0 : i32
      %dma_wait3A_203 = arith.constant 0 : i32
      %dma_wait3A_204 = tpu.memref_slice %arg2[%dma_wait3A_202, %dma_wait3A_203] : memref<32x1000000xf32, #tpu.memory_space<hbm>> -> memref<32x128xf32, #tpu.memory_space<hbm>>
      %dma_wait3A_205 = arith.constant 0 : i32
      %dma_wait3A_206 = arith.constant 0 : i32
      %dma_wait3A_207 = tpu.memref_slice %arg7[%dma_wait3A, %dma_wait3A_205, %dma_wait3A_206] : memref<8x32x128xf32, #tpu.memory_space<vmem>> -> memref<1x32x128xf32, #tpu.memory_space<vmem>>
      %dma_wait3A_208 = tpu.memref_squeeze %dma_wait3A_207 : memref<1x32x128xf32, #tpu.memory_space<vmem>> -> memref<32x128xf32, #tpu.memory_space<vmem>>
      %dma_wait3A_209 = arith.constant 0 : i32
      %dma_wait3A_210 = arith.constant 0 : i32
      %dma_wait3A_211 = tpu.memref_slice %arg2[%dma_wait3A_209, %dma_wait3A_210] : memref<32x1000000xf32, #tpu.memory_space<hbm>> -> memref<32x128xf32, #tpu.memory_space<hbm>>
      tpu.wait_dma2 semaphore(%arg10 : memref<!tpu.dma_semaphore, #tpu.memory_space<semaphore_mem>>) src(%dma_wait3A_211 : memref<32x128xf32, #tpu.memory_space<hbm>>) dst(%dma_wait3A_208 : memref<32x128xf32, #tpu.memory_space<vmem>>)
      %add3A_212 = arith.constant 0 : i32
      %add3A_213 = arith.addi %mul3A_197, %add3A_212 : i32
      %get3A_214 = arith.index_cast %add3A_213 : i32 to index
      %get3A_215 = tpu.vector_load %arg6[%get3A_214] {strides = array<i32>} : memref<528xi32, #tpu.memory_space<vmem>>, vector<16xi32>,
      %slice3A_216 = vector.extract_strided_slice %get3A_215 {offsets = [0], sizes = [1], strides = [1]} : vector<16xi32> to vector<1xi32>
      %squeeze3A_217 = vector.extract %slice3A_216[0] : i32 from vector<1xi32>
      %shift_right_arithmetic3A_218 = arith.constant 7 : i32
      %shift_right_arithmetic3A_219 = arith.shrsi %squeeze3A_217, %shift_right_arithmetic3A_218 : i32
      %shift_left3A_220 = arith.constant 7 : i32
      %shift_left3A_221 = arith.shli %shift_right_arithmetic3A_219, %shift_left3A_220 : i32
      %min3A_222 = arith.constant 999808 : i32
      %min3A_223 = arith.minsi %shift_left3A_221, %min3A_222 : i32
      %sub3A = arith.subi %squeeze3A_217, %min3A_223 : i32
      %min3A_224 = arith.constant 127 : i32
      %min3A_225 = arith.minsi %sub3A, %min3A_224 : i32
      %broadcast_in_dim3A = vector.broadcast %min3A_225 : i32 to vector<16xi32>
      %sub3A_226 = arith.constant 999936 : i32
      %sub3A_227 = arith.subi %squeeze3A_217, %sub3A_226 : i32
      %jit3A = arith.constant 0 : i32
      %jit3A_228 = arith.constant 63 : i32
      %max3A = arith.maxsi %jit3A, %sub3A_227 : i32
      %min3A_229 = arith.minsi %jit3A_228, %max3A : i32
      %broadcast_in_dim3A_230 = vector.broadcast %min3A_229 : i32 to vector<16xi32>
      %ge3A = arith.constant 999936 : i32
      %ge3A_231 = arith.cmpi sge, %squeeze3A_217, %ge3A : i32
      %broadcast_in_dim3A_232 = vector.broadcast %ge3A_231 : i1 to vector<16xi1>
      %broadcast_in_dim3A_233 = vector.broadcast %add3A_213 : i32 to vector<16xi32>
      %gather3A = arith.constant 0 : i32
      %gather3A_234 = arith.constant 0 : i32
      %gather3A_235 = arith.constant 0 : i32
      %gather3A_236 = tpu.memref_slice %arg7[%gather3A, %gather3A_234, %gather3A_235] : memref<8x32x128xf32, #tpu.memory_space<vmem>> -> memref<1x32x128xf32, #tpu.memory_space<vmem>>
      %gather3A_237 = tpu.memref_squeeze %gather3A_236 : memref<1x32x128xf32, #tpu.memory_space<vmem>> -> memref<32x128xf32, #tpu.memory_space<vmem>>
      %gather3A_238 = tpu.vector_load_idx %gather3A_237[%iota3A, %broadcast_in_dim3A] : memref<32x128xf32, #tpu.memory_space<vmem>>[vector<16xi32>, vector<16xi32>], vector<16xf32>,
      %gather3A_239 = tpu.vector_load_idx %arg8[%iota3A, %broadcast_in_dim3A_230] : memref<32x64xf32, #tpu.memory_space<vmem>>[vector<16xi32>, vector<16xi32>], vector<16xf32>,
      %select_n3A = arith.select %broadcast_in_dim3A_232, %gather3A_239, %gather3A_238 : vector<16xi1>, vector<16xf32>
      tpu.vector_store_idx %arg9[%iota3A, %broadcast_in_dim3A_233], %select_n3A : memref<32x512xf32, #tpu.memory_space<vmem>>[vector<16xi32>, vector<16xi32>], vector<16xf32>,
      %gather3A_240 = arith.constant 0 : i32
      %gather3A_241 = arith.constant 0 : i32
      %gather3A_242 = arith.constant 0 : i32
      %gather3A_243 = tpu.memref_slice %arg7[%gather3A_240, %gather3A_241, %gather3A_242] : memref<8x32x128xf32, #tpu.memory_space<vmem>> -> memref<1x32x128xf32, #tpu.memory_space<vmem>>
      %gather3A_244 = tpu.memref_squeeze %gather3A_243 : memref<1x32x128xf32, #tpu.memory_space<vmem>> -> memref<32x128xf32, #tpu.memory_space<vmem>>
      %gather3A_245 = tpu.vector_load_idx %gather3A_244[%add3A_5, %broadcast_in_dim3A] : memref<32x128xf32, #tpu.memory_space<vmem>>[vector<16xi32>, vector<16xi32>], vector<16xf32>,
      %gather3A_246 = tpu.vector_load_idx %arg8[%add3A_5, %broadcast_in_dim3A_230] : memref<32x64xf32, #tpu.memory_space<vmem>>[vector<16xi32>, vector<16xi32>], vector<16xf32>,
      %select_n3A_247 = arith.select %broadcast_in_dim3A_232, %gather3A_246, %gather3A_245 : vector<16xi1>, vector<16xf32>
      tpu.vector_store_idx %arg9[%add3A_5, %broadcast_in_dim3A_233], %select_n3A_247 : memref<32x512xf32, #tpu.memory_space<vmem>>[vector<16xi32>, vector<16xi32>], vector<16xf32>,
      %add3A_248 = arith.constant 0 : i32
      %add3A_249 = arith.addi %mul3A_197, %add3A_248 : i32
      %add3A_250 = arith.constant 8 : i32
      %add3A_251 = arith.addi %add3A_249, %add3A_250 : i32
      %lt3A = arith.constant 512 : i32
      %lt3A_252 = arith.cmpi slt, %add3A_251, %lt3A : i32
      %convert_element_type3A = arith.extui %lt3A_252 : i1 to i32
      %cond3A = arith.constant 0 : i32
      %cond3A_253 = arith.cmpi ne, %convert_element_type3A, %cond3A : i32
      scf.if %cond3A_253 {
        %add3A_723 = arith.constant 0 : i32
        %add3A_724 = arith.addi %mul3A_197, %add3A_723 : i32
        %add3A_725 = arith.constant 8 : i32
        %add3A_726 = arith.addi %add3A_724, %add3A_725 : i32
        %get3A_727 = arith.index_cast %add3A_726 : i32 to index
        %get3A_728 = tpu.vector_load %arg6[%get3A_727] {strides = array<i32>} : memref<528xi32, #tpu.memory_space<vmem>>, vector<16xi32>,
        %slice3A_729 = vector.extract_strided_slice %get3A_728 {offsets = [0], sizes = [1], strides = [1]} : vector<16xi32> to vector<1xi32>
        %squeeze3A_730 = vector.extract %slice3A_729[0] : i32 from vector<1xi32>
        %shift_right_arithmetic3A_731 = arith.constant 7 : i32
        %shift_right_arithmetic3A_732 = arith.shrsi %squeeze3A_730, %shift_right_arithmetic3A_731 : i32
        %shift_left3A_733 = arith.constant 7 : i32
        %shift_left3A_734 = arith.shli %shift_right_arithmetic3A_732, %shift_left3A_733 : i32
        %min3A_735 = arith.constant 999808 : i32
        %min3A_736 = arith.minsi %shift_left3A_734, %min3A_735 : i32
        %multiple_of3A_737 = tpu.assume_multiple %min3A_736, 128 : i32
        %dma_start3A_738 = arith.constant 0 : i32
        %dma_start3A_739 = arith.constant 0 : i32
        %dma_start3A_740 = arith.constant 0 : i32
        %dma_start3A_741 = tpu.memref_slice %arg7[%dma_start3A_738, %dma_start3A_739, %dma_start3A_740] : memref<8x32x128xf32, #tpu.memory_space<vmem>> -> memref<1x32x128xf32, #tpu.memory_space<vmem>>
        %dma_start3A_742 = tpu.memref_squeeze %dma_start3A_741 : memref<1x32x128xf32, #tpu.memory_space<vmem>> -> memref<32x128xf32, #tpu.memory_space<vmem>>
        %dma_start3A_743 = arith.constant 0 : i32
        %dma_start3A_744 = tpu.memref_slice %arg2[%dma_start3A_743, %multiple_of3A_737] : memref<32x1000000xf32, #tpu.memory_space<hbm>> -> memref<32x128xf32, #tpu.memory_space<hbm>>
        %dma_start3A_745 = arith.constant 0 : i32
        %dma_start3A_746 = arith.constant 0 : i32
        %dma_start3A_747 = tpu.memref_slice %arg7[%dma_start3A_738, %dma_start3A_745, %dma_start3A_746] : memref<8x32x128xf32, #tpu.memory_space<vmem>> -> memref<1x32x128xf32, #tpu.memory_space<vmem>>
        %dma_start3A_748 = tpu.memref_squeeze %dma_start3A_747 : memref<1x32x128xf32, #tpu.memory_space<vmem>> -> memref<32x128xf32, #tpu.memory_space<vmem>>
        %dma_start3A_749 = arith.constant 0 : i32
        %dma_start3A_750 = tpu.memref_slice %arg2[%dma_start3A_749, %multiple_of3A_737] : memref<32x1000000xf32, #tpu.memory_space<hbm>> -> memref<32x128xf32, #tpu.memory_space<hbm>>
        tpu.enqueue_dma source(%dma_start3A_750 : memref<32x128xf32, #tpu.memory_space<hbm>>) target(%dma_start3A_748 : memref<32x128xf32, #tpu.memory_space<vmem>>) target_semaphore(%arg10 : memref<!tpu.dma_semaphore, #tpu.memory_space<semaphore_mem>>)
      } else {
      }
      %dma_wait3A_254 = arith.constant 1 : i32
      %dma_wait3A_255 = arith.constant 0 : i32
      %dma_wait3A_256 = arith.constant 0 : i32
      %dma_wait3A_257 = tpu.memref_slice %arg7[%dma_wait3A_254, %dma_wait3A_255, %dma_wait3A_256] : memref<8x32x128xf32, #tpu.memory_space<vmem>> -> memref<1x32x128xf32, #tpu.memory_space<vmem>>
      %dma_wait3A_258 = tpu.memref_squeeze %dma_wait3A_257 : memref<1x32x128xf32, #tpu.memory_space<vmem>> -> memref<32x128xf32, #tpu.memory_space<vmem>>
      %dma_wait3A_259 = arith.constant 0 : i32
      %dma_wait3A_260 = arith.constant 0 : i32
      %dma_wait3A_261 = tpu.memref_slice %arg2[%dma_wait3A_259, %dma_wait3A_260] : memref<32x1000000xf32, #tpu.memory_space<hbm>> -> memref<32x128xf32, #tpu.memory_space<hbm>>
      %dma_wait3A_262 = arith.constant 0 : i32
      %dma_wait3A_263 = arith.constant 0 : i32
      %dma_wait3A_264 = tpu.memref_slice %arg7[%dma_wait3A_254, %dma_wait3A_262, %dma_wait3A_263] : memref<8x32x128xf32, #tpu.memory_space<vmem>> -> memref<1x32x128xf32, #tpu.memory_space<vmem>>
      %dma_wait3A_265 = tpu.memref_squeeze %dma_wait3A_264 : memref<1x32x128xf32, #tpu.memory_space<vmem>> -> memref<32x128xf32, #tpu.memory_space<vmem>>
      %dma_wait3A_266 = arith.constant 0 : i32
      %dma_wait3A_267 = arith.constant 0 : i32
      %dma_wait3A_268 = tpu.memref_slice %arg2[%dma_wait3A_266, %dma_wait3A_267] : memref<32x1000000xf32, #tpu.memory_space<hbm>> -> memref<32x128xf32, #tpu.memory_space<hbm>>
      tpu.wait_dma2 semaphore(%arg11 : memref<!tpu.dma_semaphore, #tpu.memory_space<semaphore_mem>>) src(%dma_wait3A_268 : memref<32x128xf32, #tpu.memory_space<hbm>>) dst(%dma_wait3A_265 : memref<32x128xf32, #tpu.memory_space<vmem>>)
      %add3A_269 = arith.constant 1 : i32
      %add3A_270 = arith.addi %mul3A_197, %add3A_269 : i32
      %get3A_271 = arith.index_cast %add3A_270 : i32 to index
      %get3A_272 = tpu.vector_load %arg6[%get3A_271] {strides = array<i32>} : memref<528xi32, #tpu.memory_space<vmem>>, vector<16xi32>,
      %slice3A_273 = vector.extract_strided_slice %get3A_272 {offsets = [0], sizes = [1], strides = [1]} : vector<16xi32> to vector<1xi32>
      %squeeze3A_274 = vector.extract %slice3A_273[0] : i32 from vector<1xi32>
      %shift_right_arithmetic3A_275 = arith.constant 7 : i32
      %shift_right_arithmetic3A_276 = arith.shrsi %squeeze3A_274, %shift_right_arithmetic3A_275 : i32
      %shift_left3A_277 = arith.constant 7 : i32
      %shift_left3A_278 = arith.shli %shift_right_arithmetic3A_276, %shift_left3A_277 : i32
      %min3A_279 = arith.constant 999808 : i32
      %min3A_280 = arith.minsi %shift_left3A_278, %min3A_279 : i32
      %sub3A_281 = arith.subi %squeeze3A_274, %min3A_280 : i32
      %min3A_282 = arith.constant 127 : i32
      %min3A_283 = arith.minsi %sub3A_281, %min3A_282 : i32
      %broadcast_in_dim3A_284 = vector.broadcast %min3A_283 : i32 to vector<16xi32>
      %sub3A_285 = arith.constant 999936 : i32
      %sub3A_286 = arith.subi %squeeze3A_274, %sub3A_285 : i32
      %jit3A_287 = arith.constant 0 : i32
      %jit3A_288 = arith.constant 63 : i32
      %max3A_289 = arith.maxsi %jit3A_287, %sub3A_286 : i32
      %min3A_290 = arith.minsi %jit3A_288, %max3A_289 : i32
      %broadcast_in_dim3A_291 = vector.broadcast %min3A_290 : i32 to vector<16xi32>
      %ge3A_292 = arith.constant 999936 : i32
      %ge3A_293 = arith.cmpi sge, %squeeze3A_274, %ge3A_292 : i32
      %broadcast_in_dim3A_294 = vector.broadcast %ge3A_293 : i1 to vector<16xi1>
      %broadcast_in_dim3A_295 = vector.broadcast %add3A_270 : i32 to vector<16xi32>
      %gather3A_296 = arith.constant 1 : i32
      %gather3A_297 = arith.constant 0 : i32
      %gather3A_298 = arith.constant 0 : i32
      %gather3A_299 = tpu.memref_slice %arg7[%gather3A_296, %gather3A_297, %gather3A_298] : memref<8x32x128xf32, #tpu.memory_space<vmem>> -> memref<1x32x128xf32, #tpu.memory_space<vmem>>
      %gather3A_300 = tpu.memref_squeeze %gather3A_299 : memref<1x32x128xf32, #tpu.memory_space<vmem>> -> memref<32x128xf32, #tpu.memory_space<vmem>>
      %gather3A_301 = tpu.vector_load_idx %gather3A_300[%iota3A, %broadcast_in_dim3A_284] : memref<32x128xf32, #tpu.memory_space<vmem>>[vector<16xi32>, vector<16xi32>], vector<16xf32>,
      %gather3A_302 = tpu.vector_load_idx %arg8[%iota3A, %broadcast_in_dim3A_291] : memref<32x64xf32, #tpu.memory_space<vmem>>[vector<16xi32>, vector<16xi32>], vector<16xf32>,
      %select_n3A_303 = arith.select %broadcast_in_dim3A_294, %gather3A_302, %gather3A_301 : vector<16xi1>, vector<16xf32>
      tpu.vector_store_idx %arg9[%iota3A, %broadcast_in_dim3A_295], %select_n3A_303 : memref<32x512xf32, #tpu.memory_space<vmem>>[vector<16xi32>, vector<16xi32>], vector<16xf32>,
      %gather3A_304 = arith.constant 1 : i32
      %gather3A_305 = arith.constant 0 : i32
      %gather3A_306 = arith.constant 0 : i32
      %gather3A_307 = tpu.memref_slice %arg7[%gather3A_304, %gather3A_305, %gather3A_306] : memref<8x32x128xf32, #tpu.memory_space<vmem>> -> memref<1x32x128xf32, #tpu.memory_space<vmem>>
      %gather3A_308 = tpu.memref_squeeze %gather3A_307 : memref<1x32x128xf32, #tpu.memory_space<vmem>> -> memref<32x128xf32, #tpu.memory_space<vmem>>
      %gather3A_309 = tpu.vector_load_idx %gather3A_308[%add3A_5, %broadcast_in_dim3A_284] : memref<32x128xf32, #tpu.memory_space<vmem>>[vector<16xi32>, vector<16xi32>], vector<16xf32>,
      %gather3A_310 = tpu.vector_load_idx %arg8[%add3A_5, %broadcast_in_dim3A_291] : memref<32x64xf32, #tpu.memory_space<vmem>>[vector<16xi32>, vector<16xi32>], vector<16xf32>,
      %select_n3A_311 = arith.select %broadcast_in_dim3A_294, %gather3A_310, %gather3A_309 : vector<16xi1>, vector<16xf32>
      tpu.vector_store_idx %arg9[%add3A_5, %broadcast_in_dim3A_295], %select_n3A_311 : memref<32x512xf32, #tpu.memory_space<vmem>>[vector<16xi32>, vector<16xi32>], vector<16xf32>,
      %add3A_312 = arith.constant 1 : i32
      %add3A_313 = arith.addi %mul3A_197, %add3A_312 : i32
      %add3A_314 = arith.constant 8 : i32
      %add3A_315 = arith.addi %add3A_313, %add3A_314 : i32
      %lt3A_316 = arith.constant 512 : i32
      %lt3A_317 = arith.cmpi slt, %add3A_315, %lt3A_316 : i32
      %convert_element_type3A_318 = arith.extui %lt3A_317 : i1 to i32
      %cond3A_319 = arith.constant 0 : i32
      %cond3A_320 = arith.cmpi ne, %convert_element_type3A_318, %cond3A_319 : i32
      scf.if %cond3A_320 {
        %add3A_723 = arith.constant 1 : i32
        %add3A_724 = arith.addi %mul3A_197, %add3A_723 : i32
        %add3A_725 = arith.constant 8 : i32
        %add3A_726 = arith.addi %add3A_724, %add3A_725 : i32
        %get3A_727 = arith.index_cast %add3A_726 : i32 to index
        %get3A_728 = tpu.vector_load %arg6[%get3A_727] {strides = array<i32>} : memref<528xi32, #tpu.memory_space<vmem>>, vector<16xi32>,
        %slice3A_729 = vector.extract_strided_slice %get3A_728 {offsets = [0], sizes = [1], strides = [1]} : vector<16xi32> to vector<1xi32>
        %squeeze3A_730 = vector.extract %slice3A_729[0] : i32 from vector<1xi32>
        %shift_right_arithmetic3A_731 = arith.constant 7 : i32
        %shift_right_arithmetic3A_732 = arith.shrsi %squeeze3A_730, %shift_right_arithmetic3A_731 : i32
        %shift_left3A_733 = arith.constant 7 : i32
        %shift_left3A_734 = arith.shli %shift_right_arithmetic3A_732, %shift_left3A_733 : i32
        %min3A_735 = arith.constant 999808 : i32
        %min3A_736 = arith.minsi %shift_left3A_734, %min3A_735 : i32
        %multiple_of3A_737 = tpu.assume_multiple %min3A_736, 128 : i32
        %dma_start3A_738 = arith.constant 1 : i32
        %dma_start3A_739 = arith.constant 0 : i32
        %dma_start3A_740 = arith.constant 0 : i32
        %dma_start3A_741 = tpu.memref_slice %arg7[%dma_start3A_738, %dma_start3A_739, %dma_start3A_740] : memref<8x32x128xf32, #tpu.memory_space<vmem>> -> memref<1x32x128xf32, #tpu.memory_space<vmem>>
        %dma_start3A_742 = tpu.memref_squeeze %dma_start3A_741 : memref<1x32x128xf32, #tpu.memory_space<vmem>> -> memref<32x128xf32, #tpu.memory_space<vmem>>
        %dma_start3A_743 = arith.constant 0 : i32
        %dma_start3A_744 = tpu.memref_slice %arg2[%dma_start3A_743, %multiple_of3A_737] : memref<32x1000000xf32, #tpu.memory_space<hbm>> -> memref<32x128xf32, #tpu.memory_space<hbm>>
        %dma_start3A_745 = arith.constant 0 : i32
        %dma_start3A_746 = arith.constant 0 : i32
        %dma_start3A_747 = tpu.memref_slice %arg7[%dma_start3A_738, %dma_start3A_745, %dma_start3A_746] : memref<8x32x128xf32, #tpu.memory_space<vmem>> -> memref<1x32x128xf32, #tpu.memory_space<vmem>>
        %dma_start3A_748 = tpu.memref_squeeze %dma_start3A_747 : memref<1x32x128xf32, #tpu.memory_space<vmem>> -> memref<32x128xf32, #tpu.memory_space<vmem>>
        %dma_start3A_749 = arith.constant 0 : i32
        %dma_start3A_750 = tpu.memref_slice %arg2[%dma_start3A_749, %multiple_of3A_737] : memref<32x1000000xf32, #tpu.memory_space<hbm>> -> memref<32x128xf32, #tpu.memory_space<hbm>>
        tpu.enqueue_dma source(%dma_start3A_750 : memref<32x128xf32, #tpu.memory_space<hbm>>) target(%dma_start3A_748 : memref<32x128xf32, #tpu.memory_space<vmem>>) target_semaphore(%arg11 : memref<!tpu.dma_semaphore, #tpu.memory_space<semaphore_mem>>)
      } else {
      }
      %dma_wait3A_321 = arith.constant 2 : i32
      %dma_wait3A_322 = arith.constant 0 : i32
      %dma_wait3A_323 = arith.constant 0 : i32
      %dma_wait3A_324 = tpu.memref_slice %arg7[%dma_wait3A_321, %dma_wait3A_322, %dma_wait3A_323] : memref<8x32x128xf32, #tpu.memory_space<vmem>> -> memref<1x32x128xf32, #tpu.memory_space<vmem>>
      %dma_wait3A_325 = tpu.memref_squeeze %dma_wait3A_324 : memref<1x32x128xf32, #tpu.memory_space<vmem>> -> memref<32x128xf32, #tpu.memory_space<vmem>>
      %dma_wait3A_326 = arith.constant 0 : i32
      %dma_wait3A_327 = arith.constant 0 : i32
      %dma_wait3A_328 = tpu.memref_slice %arg2[%dma_wait3A_326, %dma_wait3A_327] : memref<32x1000000xf32, #tpu.memory_space<hbm>> -> memref<32x128xf32, #tpu.memory_space<hbm>>
      %dma_wait3A_329 = arith.constant 0 : i32
      %dma_wait3A_330 = arith.constant 0 : i32
      %dma_wait3A_331 = tpu.memref_slice %arg7[%dma_wait3A_321, %dma_wait3A_329, %dma_wait3A_330] : memref<8x32x128xf32, #tpu.memory_space<vmem>> -> memref<1x32x128xf32, #tpu.memory_space<vmem>>
      %dma_wait3A_332 = tpu.memref_squeeze %dma_wait3A_331 : memref<1x32x128xf32, #tpu.memory_space<vmem>> -> memref<32x128xf32, #tpu.memory_space<vmem>>
      %dma_wait3A_333 = arith.constant 0 : i32
      %dma_wait3A_334 = arith.constant 0 : i32
      %dma_wait3A_335 = tpu.memref_slice %arg2[%dma_wait3A_333, %dma_wait3A_334] : memref<32x1000000xf32, #tpu.memory_space<hbm>> -> memref<32x128xf32, #tpu.memory_space<hbm>>
      tpu.wait_dma2 semaphore(%arg12 : memref<!tpu.dma_semaphore, #tpu.memory_space<semaphore_mem>>) src(%dma_wait3A_335 : memref<32x128xf32, #tpu.memory_space<hbm>>) dst(%dma_wait3A_332 : memref<32x128xf32, #tpu.memory_space<vmem>>)
      %add3A_336 = arith.constant 2 : i32
      %add3A_337 = arith.addi %mul3A_197, %add3A_336 : i32
      %get3A_338 = arith.index_cast %add3A_337 : i32 to index
      %get3A_339 = tpu.vector_load %arg6[%get3A_338] {strides = array<i32>} : memref<528xi32, #tpu.memory_space<vmem>>, vector<16xi32>,
      %slice3A_340 = vector.extract_strided_slice %get3A_339 {offsets = [0], sizes = [1], strides = [1]} : vector<16xi32> to vector<1xi32>
      %squeeze3A_341 = vector.extract %slice3A_340[0] : i32 from vector<1xi32>
      %shift_right_arithmetic3A_342 = arith.constant 7 : i32
      %shift_right_arithmetic3A_343 = arith.shrsi %squeeze3A_341, %shift_right_arithmetic3A_342 : i32
      %shift_left3A_344 = arith.constant 7 : i32
      %shift_left3A_345 = arith.shli %shift_right_arithmetic3A_343, %shift_left3A_344 : i32
      %min3A_346 = arith.constant 999808 : i32
      %min3A_347 = arith.minsi %shift_left3A_345, %min3A_346 : i32
      %sub3A_348 = arith.subi %squeeze3A_341, %min3A_347 : i32
      %min3A_349 = arith.constant 127 : i32
      %min3A_350 = arith.minsi %sub3A_348, %min3A_349 : i32
      %broadcast_in_dim3A_351 = vector.broadcast %min3A_350 : i32 to vector<16xi32>
      %sub3A_352 = arith.constant 999936 : i32
      %sub3A_353 = arith.subi %squeeze3A_341, %sub3A_352 : i32
      %jit3A_354 = arith.constant 0 : i32
      %jit3A_355 = arith.constant 63 : i32
      %max3A_356 = arith.maxsi %jit3A_354, %sub3A_353 : i32
      %min3A_357 = arith.minsi %jit3A_355, %max3A_356 : i32
      %broadcast_in_dim3A_358 = vector.broadcast %min3A_357 : i32 to vector<16xi32>
      %ge3A_359 = arith.constant 999936 : i32
      %ge3A_360 = arith.cmpi sge, %squeeze3A_341, %ge3A_359 : i32
      %broadcast_in_dim3A_361 = vector.broadcast %ge3A_360 : i1 to vector<16xi1>
      %broadcast_in_dim3A_362 = vector.broadcast %add3A_337 : i32 to vector<16xi32>
      %gather3A_363 = arith.constant 2 : i32
      %gather3A_364 = arith.constant 0 : i32
      %gather3A_365 = arith.constant 0 : i32
      %gather3A_366 = tpu.memref_slice %arg7[%gather3A_363, %gather3A_364, %gather3A_365] : memref<8x32x128xf32, #tpu.memory_space<vmem>> -> memref<1x32x128xf32, #tpu.memory_space<vmem>>
      %gather3A_367 = tpu.memref_squeeze %gather3A_366 : memref<1x32x128xf32, #tpu.memory_space<vmem>> -> memref<32x128xf32, #tpu.memory_space<vmem>>
      %gather3A_368 = tpu.vector_load_idx %gather3A_367[%iota3A, %broadcast_in_dim3A_351] : memref<32x128xf32, #tpu.memory_space<vmem>>[vector<16xi32>, vector<16xi32>], vector<16xf32>,
      %gather3A_369 = tpu.vector_load_idx %arg8[%iota3A, %broadcast_in_dim3A_358] : memref<32x64xf32, #tpu.memory_space<vmem>>[vector<16xi32>, vector<16xi32>], vector<16xf32>,
      %select_n3A_370 = arith.select %broadcast_in_dim3A_361, %gather3A_369, %gather3A_368 : vector<16xi1>, vector<16xf32>
      tpu.vector_store_idx %arg9[%iota3A, %broadcast_in_dim3A_362], %select_n3A_370 : memref<32x512xf32, #tpu.memory_space<vmem>>[vector<16xi32>, vector<16xi32>], vector<16xf32>,
      %gather3A_371 = arith.constant 2 : i32
      %gather3A_372 = arith.constant 0 : i32
      %gather3A_373 = arith.constant 0 : i32
      %gather3A_374 = tpu.memref_slice %arg7[%gather3A_371, %gather3A_372, %gather3A_373] : memref<8x32x128xf32, #tpu.memory_space<vmem>> -> memref<1x32x128xf32, #tpu.memory_space<vmem>>
      %gather3A_375 = tpu.memref_squeeze %gather3A_374 : memref<1x32x128xf32, #tpu.memory_space<vmem>> -> memref<32x128xf32, #tpu.memory_space<vmem>>
      %gather3A_376 = tpu.vector_load_idx %gather3A_375[%add3A_5, %broadcast_in_dim3A_351] : memref<32x128xf32, #tpu.memory_space<vmem>>[vector<16xi32>, vector<16xi32>], vector<16xf32>,
      %gather3A_377 = tpu.vector_load_idx %arg8[%add3A_5, %broadcast_in_dim3A_358] : memref<32x64xf32, #tpu.memory_space<vmem>>[vector<16xi32>, vector<16xi32>], vector<16xf32>,
      %select_n3A_378 = arith.select %broadcast_in_dim3A_361, %gather3A_377, %gather3A_376 : vector<16xi1>, vector<16xf32>
      tpu.vector_store_idx %arg9[%add3A_5, %broadcast_in_dim3A_362], %select_n3A_378 : memref<32x512xf32, #tpu.memory_space<vmem>>[vector<16xi32>, vector<16xi32>], vector<16xf32>,
      %add3A_379 = arith.constant 2 : i32
      %add3A_380 = arith.addi %mul3A_197, %add3A_379 : i32
      %add3A_381 = arith.constant 8 : i32
      %add3A_382 = arith.addi %add3A_380, %add3A_381 : i32
      %lt3A_383 = arith.constant 512 : i32
      %lt3A_384 = arith.cmpi slt, %add3A_382, %lt3A_383 : i32
      %convert_element_type3A_385 = arith.extui %lt3A_384 : i1 to i32
      %cond3A_386 = arith.constant 0 : i32
      %cond3A_387 = arith.cmpi ne, %convert_element_type3A_385, %cond3A_386 : i32
      scf.if %cond3A_387 {
        %add3A_723 = arith.constant 2 : i32
        %add3A_724 = arith.addi %mul3A_197, %add3A_723 : i32
        %add3A_725 = arith.constant 8 : i32
        %add3A_726 = arith.addi %add3A_724, %add3A_725 : i32
        %get3A_727 = arith.index_cast %add3A_726 : i32 to index
        %get3A_728 = tpu.vector_load %arg6[%get3A_727] {strides = array<i32>} : memref<528xi32, #tpu.memory_space<vmem>>, vector<16xi32>,
        %slice3A_729 = vector.extract_strided_slice %get3A_728 {offsets = [0], sizes = [1], strides = [1]} : vector<16xi32> to vector<1xi32>
        %squeeze3A_730 = vector.extract %slice3A_729[0] : i32 from vector<1xi32>
        %shift_right_arithmetic3A_731 = arith.constant 7 : i32
        %shift_right_arithmetic3A_732 = arith.shrsi %squeeze3A_730, %shift_right_arithmetic3A_731 : i32
        %shift_left3A_733 = arith.constant 7 : i32
        %shift_left3A_734 = arith.shli %shift_right_arithmetic3A_732, %shift_left3A_733 : i32
        %min3A_735 = arith.constant 999808 : i32
        %min3A_736 = arith.minsi %shift_left3A_734, %min3A_735 : i32
        %multiple_of3A_737 = tpu.assume_multiple %min3A_736, 128 : i32
        %dma_start3A_738 = arith.constant 2 : i32
        %dma_start3A_739 = arith.constant 0 : i32
        %dma_start3A_740 = arith.constant 0 : i32
        %dma_start3A_741 = tpu.memref_slice %arg7[%dma_start3A_738, %dma_start3A_739, %dma_start3A_740] : memref<8x32x128xf32, #tpu.memory_space<vmem>> -> memref<1x32x128xf32, #tpu.memory_space<vmem>>
        %dma_start3A_742 = tpu.memref_squeeze %dma_start3A_741 : memref<1x32x128xf32, #tpu.memory_space<vmem>> -> memref<32x128xf32, #tpu.memory_space<vmem>>
        %dma_start3A_743 = arith.constant 0 : i32
        %dma_start3A_744 = tpu.memref_slice %arg2[%dma_start3A_743, %multiple_of3A_737] : memref<32x1000000xf32, #tpu.memory_space<hbm>> -> memref<32x128xf32, #tpu.memory_space<hbm>>
        %dma_start3A_745 = arith.constant 0 : i32
        %dma_start3A_746 = arith.constant 0 : i32
        %dma_start3A_747 = tpu.memref_slice %arg7[%dma_start3A_738, %dma_start3A_745, %dma_start3A_746] : memref<8x32x128xf32, #tpu.memory_space<vmem>> -> memref<1x32x128xf32, #tpu.memory_space<vmem>>
        %dma_start3A_748 = tpu.memref_squeeze %dma_start3A_747 : memref<1x32x128xf32, #tpu.memory_space<vmem>> -> memref<32x128xf32, #tpu.memory_space<vmem>>
        %dma_start3A_749 = arith.constant 0 : i32
        %dma_start3A_750 = tpu.memref_slice %arg2[%dma_start3A_749, %multiple_of3A_737] : memref<32x1000000xf32, #tpu.memory_space<hbm>> -> memref<32x128xf32, #tpu.memory_space<hbm>>
        tpu.enqueue_dma source(%dma_start3A_750 : memref<32x128xf32, #tpu.memory_space<hbm>>) target(%dma_start3A_748 : memref<32x128xf32, #tpu.memory_space<vmem>>) target_semaphore(%arg12 : memref<!tpu.dma_semaphore, #tpu.memory_space<semaphore_mem>>)
      } else {
      }
      %dma_wait3A_388 = arith.constant 3 : i32
      %dma_wait3A_389 = arith.constant 0 : i32
      %dma_wait3A_390 = arith.constant 0 : i32
      %dma_wait3A_391 = tpu.memref_slice %arg7[%dma_wait3A_388, %dma_wait3A_389, %dma_wait3A_390] : memref<8x32x128xf32, #tpu.memory_space<vmem>> -> memref<1x32x128xf32, #tpu.memory_space<vmem>>
      %dma_wait3A_392 = tpu.memref_squeeze %dma_wait3A_391 : memref<1x32x128xf32, #tpu.memory_space<vmem>> -> memref<32x128xf32, #tpu.memory_space<vmem>>
      %dma_wait3A_393 = arith.constant 0 : i32
      %dma_wait3A_394 = arith.constant 0 : i32
      %dma_wait3A_395 = tpu.memref_slice %arg2[%dma_wait3A_393, %dma_wait3A_394] : memref<32x1000000xf32, #tpu.memory_space<hbm>> -> memref<32x128xf32, #tpu.memory_space<hbm>>
      %dma_wait3A_396 = arith.constant 0 : i32
      %dma_wait3A_397 = arith.constant 0 : i32
      %dma_wait3A_398 = tpu.memref_slice %arg7[%dma_wait3A_388, %dma_wait3A_396, %dma_wait3A_397] : memref<8x32x128xf32, #tpu.memory_space<vmem>> -> memref<1x32x128xf32, #tpu.memory_space<vmem>>
      %dma_wait3A_399 = tpu.memref_squeeze %dma_wait3A_398 : memref<1x32x128xf32, #tpu.memory_space<vmem>> -> memref<32x128xf32, #tpu.memory_space<vmem>>
      %dma_wait3A_400 = arith.constant 0 : i32
      %dma_wait3A_401 = arith.constant 0 : i32
      %dma_wait3A_402 = tpu.memref_slice %arg2[%dma_wait3A_400, %dma_wait3A_401] : memref<32x1000000xf32, #tpu.memory_space<hbm>> -> memref<32x128xf32, #tpu.memory_space<hbm>>
      tpu.wait_dma2 semaphore(%arg13 : memref<!tpu.dma_semaphore, #tpu.memory_space<semaphore_mem>>) src(%dma_wait3A_402 : memref<32x128xf32, #tpu.memory_space<hbm>>) dst(%dma_wait3A_399 : memref<32x128xf32, #tpu.memory_space<vmem>>)
      %add3A_403 = arith.constant 3 : i32
      %add3A_404 = arith.addi %mul3A_197, %add3A_403 : i32
      %get3A_405 = arith.index_cast %add3A_404 : i32 to index
      %get3A_406 = tpu.vector_load %arg6[%get3A_405] {strides = array<i32>} : memref<528xi32, #tpu.memory_space<vmem>>, vector<16xi32>,
      %slice3A_407 = vector.extract_strided_slice %get3A_406 {offsets = [0], sizes = [1], strides = [1]} : vector<16xi32> to vector<1xi32>
      %squeeze3A_408 = vector.extract %slice3A_407[0] : i32 from vector<1xi32>
      %shift_right_arithmetic3A_409 = arith.constant 7 : i32
      %shift_right_arithmetic3A_410 = arith.shrsi %squeeze3A_408, %shift_right_arithmetic3A_409 : i32
      %shift_left3A_411 = arith.constant 7 : i32
      %shift_left3A_412 = arith.shli %shift_right_arithmetic3A_410, %shift_left3A_411 : i32
      %min3A_413 = arith.constant 999808 : i32
      %min3A_414 = arith.minsi %shift_left3A_412, %min3A_413 : i32
      %sub3A_415 = arith.subi %squeeze3A_408, %min3A_414 : i32
      %min3A_416 = arith.constant 127 : i32
      %min3A_417 = arith.minsi %sub3A_415, %min3A_416 : i32
      %broadcast_in_dim3A_418 = vector.broadcast %min3A_417 : i32 to vector<16xi32>
      %sub3A_419 = arith.constant 999936 : i32
      %sub3A_420 = arith.subi %squeeze3A_408, %sub3A_419 : i32
      %jit3A_421 = arith.constant 0 : i32
      %jit3A_422 = arith.constant 63 : i32
      %max3A_423 = arith.maxsi %jit3A_421, %sub3A_420 : i32
      %min3A_424 = arith.minsi %jit3A_422, %max3A_423 : i32
      %broadcast_in_dim3A_425 = vector.broadcast %min3A_424 : i32 to vector<16xi32>
      %ge3A_426 = arith.constant 999936 : i32
      %ge3A_427 = arith.cmpi sge, %squeeze3A_408, %ge3A_426 : i32
      %broadcast_in_dim3A_428 = vector.broadcast %ge3A_427 : i1 to vector<16xi1>
      %broadcast_in_dim3A_429 = vector.broadcast %add3A_404 : i32 to vector<16xi32>
      %gather3A_430 = arith.constant 3 : i32
      %gather3A_431 = arith.constant 0 : i32
      %gather3A_432 = arith.constant 0 : i32
      %gather3A_433 = tpu.memref_slice %arg7[%gather3A_430, %gather3A_431, %gather3A_432] : memref<8x32x128xf32, #tpu.memory_space<vmem>> -> memref<1x32x128xf32, #tpu.memory_space<vmem>>
      %gather3A_434 = tpu.memref_squeeze %gather3A_433 : memref<1x32x128xf32, #tpu.memory_space<vmem>> -> memref<32x128xf32, #tpu.memory_space<vmem>>
      %gather3A_435 = tpu.vector_load_idx %gather3A_434[%iota3A, %broadcast_in_dim3A_418] : memref<32x128xf32, #tpu.memory_space<vmem>>[vector<16xi32>, vector<16xi32>], vector<16xf32>,
      %gather3A_436 = tpu.vector_load_idx %arg8[%iota3A, %broadcast_in_dim3A_425] : memref<32x64xf32, #tpu.memory_space<vmem>>[vector<16xi32>, vector<16xi32>], vector<16xf32>,
      %select_n3A_437 = arith.select %broadcast_in_dim3A_428, %gather3A_436, %gather3A_435 : vector<16xi1>, vector<16xf32>
      tpu.vector_store_idx %arg9[%iota3A, %broadcast_in_dim3A_429], %select_n3A_437 : memref<32x512xf32, #tpu.memory_space<vmem>>[vector<16xi32>, vector<16xi32>], vector<16xf32>,
      %gather3A_438 = arith.constant 3 : i32
      %gather3A_439 = arith.constant 0 : i32
      %gather3A_440 = arith.constant 0 : i32
      %gather3A_441 = tpu.memref_slice %arg7[%gather3A_438, %gather3A_439, %gather3A_440] : memref<8x32x128xf32, #tpu.memory_space<vmem>> -> memref<1x32x128xf32, #tpu.memory_space<vmem>>
      %gather3A_442 = tpu.memref_squeeze %gather3A_441 : memref<1x32x128xf32, #tpu.memory_space<vmem>> -> memref<32x128xf32, #tpu.memory_space<vmem>>
      %gather3A_443 = tpu.vector_load_idx %gather3A_442[%add3A_5, %broadcast_in_dim3A_418] : memref<32x128xf32, #tpu.memory_space<vmem>>[vector<16xi32>, vector<16xi32>], vector<16xf32>,
      %gather3A_444 = tpu.vector_load_idx %arg8[%add3A_5, %broadcast_in_dim3A_425] : memref<32x64xf32, #tpu.memory_space<vmem>>[vector<16xi32>, vector<16xi32>], vector<16xf32>,
      %select_n3A_445 = arith.select %broadcast_in_dim3A_428, %gather3A_444, %gather3A_443 : vector<16xi1>, vector<16xf32>
      tpu.vector_store_idx %arg9[%add3A_5, %broadcast_in_dim3A_429], %select_n3A_445 : memref<32x512xf32, #tpu.memory_space<vmem>>[vector<16xi32>, vector<16xi32>], vector<16xf32>,
      %add3A_446 = arith.constant 3 : i32
      %add3A_447 = arith.addi %mul3A_197, %add3A_446 : i32
      %add3A_448 = arith.constant 8 : i32
      %add3A_449 = arith.addi %add3A_447, %add3A_448 : i32
      %lt3A_450 = arith.constant 512 : i32
      %lt3A_451 = arith.cmpi slt, %add3A_449, %lt3A_450 : i32
      %convert_element_type3A_452 = arith.extui %lt3A_451 : i1 to i32
      %cond3A_453 = arith.constant 0 : i32
      %cond3A_454 = arith.cmpi ne, %convert_element_type3A_452, %cond3A_453 : i32
      scf.if %cond3A_454 {
        %add3A_723 = arith.constant 3 : i32
        %add3A_724 = arith.addi %mul3A_197, %add3A_723 : i32
        %add3A_725 = arith.constant 8 : i32
        %add3A_726 = arith.addi %add3A_724, %add3A_725 : i32
        %get3A_727 = arith.index_cast %add3A_726 : i32 to index
        %get3A_728 = tpu.vector_load %arg6[%get3A_727] {strides = array<i32>} : memref<528xi32, #tpu.memory_space<vmem>>, vector<16xi32>,
        %slice3A_729 = vector.extract_strided_slice %get3A_728 {offsets = [0], sizes = [1], strides = [1]} : vector<16xi32> to vector<1xi32>
        %squeeze3A_730 = vector.extract %slice3A_729[0] : i32 from vector<1xi32>
        %shift_right_arithmetic3A_731 = arith.constant 7 : i32
        %shift_right_arithmetic3A_732 = arith.shrsi %squeeze3A_730, %shift_right_arithmetic3A_731 : i32
        %shift_left3A_733 = arith.constant 7 : i32
        %shift_left3A_734 = arith.shli %shift_right_arithmetic3A_732, %shift_left3A_733 : i32
        %min3A_735 = arith.constant 999808 : i32
        %min3A_736 = arith.minsi %shift_left3A_734, %min3A_735 : i32
        %multiple_of3A_737 = tpu.assume_multiple %min3A_736, 128 : i32
        %dma_start3A_738 = arith.constant 3 : i32
        %dma_start3A_739 = arith.constant 0 : i32
        %dma_start3A_740 = arith.constant 0 : i32
        %dma_start3A_741 = tpu.memref_slice %arg7[%dma_start3A_738, %dma_start3A_739, %dma_start3A_740] : memref<8x32x128xf32, #tpu.memory_space<vmem>> -> memref<1x32x128xf32, #tpu.memory_space<vmem>>
        %dma_start3A_742 = tpu.memref_squeeze %dma_start3A_741 : memref<1x32x128xf32, #tpu.memory_space<vmem>> -> memref<32x128xf32, #tpu.memory_space<vmem>>
        %dma_start3A_743 = arith.constant 0 : i32
        %dma_start3A_744 = tpu.memref_slice %arg2[%dma_start3A_743, %multiple_of3A_737] : memref<32x1000000xf32, #tpu.memory_space<hbm>> -> memref<32x128xf32, #tpu.memory_space<hbm>>
        %dma_start3A_745 = arith.constant 0 : i32
        %dma_start3A_746 = arith.constant 0 : i32
        %dma_start3A_747 = tpu.memref_slice %arg7[%dma_start3A_738, %dma_start3A_745, %dma_start3A_746] : memref<8x32x128xf32, #tpu.memory_space<vmem>> -> memref<1x32x128xf32, #tpu.memory_space<vmem>>
        %dma_start3A_748 = tpu.memref_squeeze %dma_start3A_747 : memref<1x32x128xf32, #tpu.memory_space<vmem>> -> memref<32x128xf32, #tpu.memory_space<vmem>>
        %dma_start3A_749 = arith.constant 0 : i32
        %dma_start3A_750 = tpu.memref_slice %arg2[%dma_start3A_749, %multiple_of3A_737] : memref<32x1000000xf32, #tpu.memory_space<hbm>> -> memref<32x128xf32, #tpu.memory_space<hbm>>
        tpu.enqueue_dma source(%dma_start3A_750 : memref<32x128xf32, #tpu.memory_space<hbm>>) target(%dma_start3A_748 : memref<32x128xf32, #tpu.memory_space<vmem>>) target_semaphore(%arg13 : memref<!tpu.dma_semaphore, #tpu.memory_space<semaphore_mem>>)
      } else {
      }
      %dma_wait3A_455 = arith.constant 4 : i32
      %dma_wait3A_456 = arith.constant 0 : i32
      %dma_wait3A_457 = arith.constant 0 : i32
      %dma_wait3A_458 = tpu.memref_slice %arg7[%dma_wait3A_455, %dma_wait3A_456, %dma_wait3A_457] : memref<8x32x128xf32, #tpu.memory_space<vmem>> -> memref<1x32x128xf32, #tpu.memory_space<vmem>>
      %dma_wait3A_459 = tpu.memref_squeeze %dma_wait3A_458 : memref<1x32x128xf32, #tpu.memory_space<vmem>> -> memref<32x128xf32, #tpu.memory_space<vmem>>
      %dma_wait3A_460 = arith.constant 0 : i32
      %dma_wait3A_461 = arith.constant 0 : i32
      %dma_wait3A_462 = tpu.memref_slice %arg2[%dma_wait3A_460, %dma_wait3A_461] : memref<32x1000000xf32, #tpu.memory_space<hbm>> -> memref<32x128xf32, #tpu.memory_space<hbm>>
      %dma_wait3A_463 = arith.constant 0 : i32
      %dma_wait3A_464 = arith.constant 0 : i32
      %dma_wait3A_465 = tpu.memref_slice %arg7[%dma_wait3A_455, %dma_wait3A_463, %dma_wait3A_464] : memref<8x32x128xf32, #tpu.memory_space<vmem>> -> memref<1x32x128xf32, #tpu.memory_space<vmem>>
      %dma_wait3A_466 = tpu.memref_squeeze %dma_wait3A_465 : memref<1x32x128xf32, #tpu.memory_space<vmem>> -> memref<32x128xf32, #tpu.memory_space<vmem>>
      %dma_wait3A_467 = arith.constant 0 : i32
      %dma_wait3A_468 = arith.constant 0 : i32
      %dma_wait3A_469 = tpu.memref_slice %arg2[%dma_wait3A_467, %dma_wait3A_468] : memref<32x1000000xf32, #tpu.memory_space<hbm>> -> memref<32x128xf32, #tpu.memory_space<hbm>>
      tpu.wait_dma2 semaphore(%arg14 : memref<!tpu.dma_semaphore, #tpu.memory_space<semaphore_mem>>) src(%dma_wait3A_469 : memref<32x128xf32, #tpu.memory_space<hbm>>) dst(%dma_wait3A_466 : memref<32x128xf32, #tpu.memory_space<vmem>>)
      %add3A_470 = arith.constant 4 : i32
      %add3A_471 = arith.addi %mul3A_197, %add3A_470 : i32
      %get3A_472 = arith.index_cast %add3A_471 : i32 to index
      %get3A_473 = tpu.vector_load %arg6[%get3A_472] {strides = array<i32>} : memref<528xi32, #tpu.memory_space<vmem>>, vector<16xi32>,
      %slice3A_474 = vector.extract_strided_slice %get3A_473 {offsets = [0], sizes = [1], strides = [1]} : vector<16xi32> to vector<1xi32>
      %squeeze3A_475 = vector.extract %slice3A_474[0] : i32 from vector<1xi32>
      %shift_right_arithmetic3A_476 = arith.constant 7 : i32
      %shift_right_arithmetic3A_477 = arith.shrsi %squeeze3A_475, %shift_right_arithmetic3A_476 : i32
      %shift_left3A_478 = arith.constant 7 : i32
      %shift_left3A_479 = arith.shli %shift_right_arithmetic3A_477, %shift_left3A_478 : i32
      %min3A_480 = arith.constant 999808 : i32
      %min3A_481 = arith.minsi %shift_left3A_479, %min3A_480 : i32
      %sub3A_482 = arith.subi %squeeze3A_475, %min3A_481 : i32
      %min3A_483 = arith.constant 127 : i32
      %min3A_484 = arith.minsi %sub3A_482, %min3A_483 : i32
      %broadcast_in_dim3A_485 = vector.broadcast %min3A_484 : i32 to vector<16xi32>
      %sub3A_486 = arith.constant 999936 : i32
      %sub3A_487 = arith.subi %squeeze3A_475, %sub3A_486 : i32
      %jit3A_488 = arith.constant 0 : i32
      %jit3A_489 = arith.constant 63 : i32
      %max3A_490 = arith.maxsi %jit3A_488, %sub3A_487 : i32
      %min3A_491 = arith.minsi %jit3A_489, %max3A_490 : i32
      %broadcast_in_dim3A_492 = vector.broadcast %min3A_491 : i32 to vector<16xi32>
      %ge3A_493 = arith.constant 999936 : i32
      %ge3A_494 = arith.cmpi sge, %squeeze3A_475, %ge3A_493 : i32
      %broadcast_in_dim3A_495 = vector.broadcast %ge3A_494 : i1 to vector<16xi1>
      %broadcast_in_dim3A_496 = vector.broadcast %add3A_471 : i32 to vector<16xi32>
      %gather3A_497 = arith.constant 4 : i32
      %gather3A_498 = arith.constant 0 : i32
      %gather3A_499 = arith.constant 0 : i32
      %gather3A_500 = tpu.memref_slice %arg7[%gather3A_497, %gather3A_498, %gather3A_499] : memref<8x32x128xf32, #tpu.memory_space<vmem>> -> memref<1x32x128xf32, #tpu.memory_space<vmem>>
      %gather3A_501 = tpu.memref_squeeze %gather3A_500 : memref<1x32x128xf32, #tpu.memory_space<vmem>> -> memref<32x128xf32, #tpu.memory_space<vmem>>
      %gather3A_502 = tpu.vector_load_idx %gather3A_501[%iota3A, %broadcast_in_dim3A_485] : memref<32x128xf32, #tpu.memory_space<vmem>>[vector<16xi32>, vector<16xi32>], vector<16xf32>,
      %gather3A_503 = tpu.vector_load_idx %arg8[%iota3A, %broadcast_in_dim3A_492] : memref<32x64xf32, #tpu.memory_space<vmem>>[vector<16xi32>, vector<16xi32>], vector<16xf32>,
      %select_n3A_504 = arith.select %broadcast_in_dim3A_495, %gather3A_503, %gather3A_502 : vector<16xi1>, vector<16xf32>
      tpu.vector_store_idx %arg9[%iota3A, %broadcast_in_dim3A_496], %select_n3A_504 : memref<32x512xf32, #tpu.memory_space<vmem>>[vector<16xi32>, vector<16xi32>], vector<16xf32>,
      %gather3A_505 = arith.constant 4 : i32
      %gather3A_506 = arith.constant 0 : i32
      %gather3A_507 = arith.constant 0 : i32
      %gather3A_508 = tpu.memref_slice %arg7[%gather3A_505, %gather3A_506, %gather3A_507] : memref<8x32x128xf32, #tpu.memory_space<vmem>> -> memref<1x32x128xf32, #tpu.memory_space<vmem>>
      %gather3A_509 = tpu.memref_squeeze %gather3A_508 : memref<1x32x128xf32, #tpu.memory_space<vmem>> -> memref<32x128xf32, #tpu.memory_space<vmem>>
      %gather3A_510 = tpu.vector_load_idx %gather3A_509[%add3A_5, %broadcast_in_dim3A_485] : memref<32x128xf32, #tpu.memory_space<vmem>>[vector<16xi32>, vector<16xi32>], vector<16xf32>,
      %gather3A_511 = tpu.vector_load_idx %arg8[%add3A_5, %broadcast_in_dim3A_492] : memref<32x64xf32, #tpu.memory_space<vmem>>[vector<16xi32>, vector<16xi32>], vector<16xf32>,
      %select_n3A_512 = arith.select %broadcast_in_dim3A_495, %gather3A_511, %gather3A_510 : vector<16xi1>, vector<16xf32>
      tpu.vector_store_idx %arg9[%add3A_5, %broadcast_in_dim3A_496], %select_n3A_512 : memref<32x512xf32, #tpu.memory_space<vmem>>[vector<16xi32>, vector<16xi32>], vector<16xf32>,
      %add3A_513 = arith.constant 4 : i32
      %add3A_514 = arith.addi %mul3A_197, %add3A_513 : i32
      %add3A_515 = arith.constant 8 : i32
      %add3A_516 = arith.addi %add3A_514, %add3A_515 : i32
      %lt3A_517 = arith.constant 512 : i32
      %lt3A_518 = arith.cmpi slt, %add3A_516, %lt3A_517 : i32
      %convert_element_type3A_519 = arith.extui %lt3A_518 : i1 to i32
      %cond3A_520 = arith.constant 0 : i32
      %cond3A_521 = arith.cmpi ne, %convert_element_type3A_519, %cond3A_520 : i32
      scf.if %cond3A_521 {
        %add3A_723 = arith.constant 4 : i32
        %add3A_724 = arith.addi %mul3A_197, %add3A_723 : i32
        %add3A_725 = arith.constant 8 : i32
        %add3A_726 = arith.addi %add3A_724, %add3A_725 : i32
        %get3A_727 = arith.index_cast %add3A_726 : i32 to index
        %get3A_728 = tpu.vector_load %arg6[%get3A_727] {strides = array<i32>} : memref<528xi32, #tpu.memory_space<vmem>>, vector<16xi32>,
        %slice3A_729 = vector.extract_strided_slice %get3A_728 {offsets = [0], sizes = [1], strides = [1]} : vector<16xi32> to vector<1xi32>
        %squeeze3A_730 = vector.extract %slice3A_729[0] : i32 from vector<1xi32>
        %shift_right_arithmetic3A_731 = arith.constant 7 : i32
        %shift_right_arithmetic3A_732 = arith.shrsi %squeeze3A_730, %shift_right_arithmetic3A_731 : i32
        %shift_left3A_733 = arith.constant 7 : i32
        %shift_left3A_734 = arith.shli %shift_right_arithmetic3A_732, %shift_left3A_733 : i32
        %min3A_735 = arith.constant 999808 : i32
        %min3A_736 = arith.minsi %shift_left3A_734, %min3A_735 : i32
        %multiple_of3A_737 = tpu.assume_multiple %min3A_736, 128 : i32
        %dma_start3A_738 = arith.constant 4 : i32
        %dma_start3A_739 = arith.constant 0 : i32
        %dma_start3A_740 = arith.constant 0 : i32
        %dma_start3A_741 = tpu.memref_slice %arg7[%dma_start3A_738, %dma_start3A_739, %dma_start3A_740] : memref<8x32x128xf32, #tpu.memory_space<vmem>> -> memref<1x32x128xf32, #tpu.memory_space<vmem>>
        %dma_start3A_742 = tpu.memref_squeeze %dma_start3A_741 : memref<1x32x128xf32, #tpu.memory_space<vmem>> -> memref<32x128xf32, #tpu.memory_space<vmem>>
        %dma_start3A_743 = arith.constant 0 : i32
        %dma_start3A_744 = tpu.memref_slice %arg2[%dma_start3A_743, %multiple_of3A_737] : memref<32x1000000xf32, #tpu.memory_space<hbm>> -> memref<32x128xf32, #tpu.memory_space<hbm>>
        %dma_start3A_745 = arith.constant 0 : i32
        %dma_start3A_746 = arith.constant 0 : i32
        %dma_start3A_747 = tpu.memref_slice %arg7[%dma_start3A_738, %dma_start3A_745, %dma_start3A_746] : memref<8x32x128xf32, #tpu.memory_space<vmem>> -> memref<1x32x128xf32, #tpu.memory_space<vmem>>
        %dma_start3A_748 = tpu.memref_squeeze %dma_start3A_747 : memref<1x32x128xf32, #tpu.memory_space<vmem>> -> memref<32x128xf32, #tpu.memory_space<vmem>>
        %dma_start3A_749 = arith.constant 0 : i32
        %dma_start3A_750 = tpu.memref_slice %arg2[%dma_start3A_749, %multiple_of3A_737] : memref<32x1000000xf32, #tpu.memory_space<hbm>> -> memref<32x128xf32, #tpu.memory_space<hbm>>
        tpu.enqueue_dma source(%dma_start3A_750 : memref<32x128xf32, #tpu.memory_space<hbm>>) target(%dma_start3A_748 : memref<32x128xf32, #tpu.memory_space<vmem>>) target_semaphore(%arg14 : memref<!tpu.dma_semaphore, #tpu.memory_space<semaphore_mem>>)
      } else {
      }
      %dma_wait3A_522 = arith.constant 5 : i32
      %dma_wait3A_523 = arith.constant 0 : i32
      %dma_wait3A_524 = arith.constant 0 : i32
      %dma_wait3A_525 = tpu.memref_slice %arg7[%dma_wait3A_522, %dma_wait3A_523, %dma_wait3A_524] : memref<8x32x128xf32, #tpu.memory_space<vmem>> -> memref<1x32x128xf32, #tpu.memory_space<vmem>>
      %dma_wait3A_526 = tpu.memref_squeeze %dma_wait3A_525 : memref<1x32x128xf32, #tpu.memory_space<vmem>> -> memref<32x128xf32, #tpu.memory_space<vmem>>
      %dma_wait3A_527 = arith.constant 0 : i32
      %dma_wait3A_528 = arith.constant 0 : i32
      %dma_wait3A_529 = tpu.memref_slice %arg2[%dma_wait3A_527, %dma_wait3A_528] : memref<32x1000000xf32, #tpu.memory_space<hbm>> -> memref<32x128xf32, #tpu.memory_space<hbm>>
      %dma_wait3A_530 = arith.constant 0 : i32
      %dma_wait3A_531 = arith.constant 0 : i32
      %dma_wait3A_532 = tpu.memref_slice %arg7[%dma_wait3A_522, %dma_wait3A_530, %dma_wait3A_531] : memref<8x32x128xf32, #tpu.memory_space<vmem>> -> memref<1x32x128xf32, #tpu.memory_space<vmem>>
      %dma_wait3A_533 = tpu.memref_squeeze %dma_wait3A_532 : memref<1x32x128xf32, #tpu.memory_space<vmem>> -> memref<32x128xf32, #tpu.memory_space<vmem>>
      %dma_wait3A_534 = arith.constant 0 : i32
      %dma_wait3A_535 = arith.constant 0 : i32
      %dma_wait3A_536 = tpu.memref_slice %arg2[%dma_wait3A_534, %dma_wait3A_535] : memref<32x1000000xf32, #tpu.memory_space<hbm>> -> memref<32x128xf32, #tpu.memory_space<hbm>>
      tpu.wait_dma2 semaphore(%arg15 : memref<!tpu.dma_semaphore, #tpu.memory_space<semaphore_mem>>) src(%dma_wait3A_536 : memref<32x128xf32, #tpu.memory_space<hbm>>) dst(%dma_wait3A_533 : memref<32x128xf32, #tpu.memory_space<vmem>>)
      %add3A_537 = arith.constant 5 : i32
      %add3A_538 = arith.addi %mul3A_197, %add3A_537 : i32
      %get3A_539 = arith.index_cast %add3A_538 : i32 to index
      %get3A_540 = tpu.vector_load %arg6[%get3A_539] {strides = array<i32>} : memref<528xi32, #tpu.memory_space<vmem>>, vector<16xi32>,
      %slice3A_541 = vector.extract_strided_slice %get3A_540 {offsets = [0], sizes = [1], strides = [1]} : vector<16xi32> to vector<1xi32>
      %squeeze3A_542 = vector.extract %slice3A_541[0] : i32 from vector<1xi32>
      %shift_right_arithmetic3A_543 = arith.constant 7 : i32
      %shift_right_arithmetic3A_544 = arith.shrsi %squeeze3A_542, %shift_right_arithmetic3A_543 : i32
      %shift_left3A_545 = arith.constant 7 : i32
      %shift_left3A_546 = arith.shli %shift_right_arithmetic3A_544, %shift_left3A_545 : i32
      %min3A_547 = arith.constant 999808 : i32
      %min3A_548 = arith.minsi %shift_left3A_546, %min3A_547 : i32
      %sub3A_549 = arith.subi %squeeze3A_542, %min3A_548 : i32
      %min3A_550 = arith.constant 127 : i32
      %min3A_551 = arith.minsi %sub3A_549, %min3A_550 : i32
      %broadcast_in_dim3A_552 = vector.broadcast %min3A_551 : i32 to vector<16xi32>
      %sub3A_553 = arith.constant 999936 : i32
      %sub3A_554 = arith.subi %squeeze3A_542, %sub3A_553 : i32
      %jit3A_555 = arith.constant 0 : i32
      %jit3A_556 = arith.constant 63 : i32
      %max3A_557 = arith.maxsi %jit3A_555, %sub3A_554 : i32
      %min3A_558 = arith.minsi %jit3A_556, %max3A_557 : i32
      %broadcast_in_dim3A_559 = vector.broadcast %min3A_558 : i32 to vector<16xi32>
      %ge3A_560 = arith.constant 999936 : i32
      %ge3A_561 = arith.cmpi sge, %squeeze3A_542, %ge3A_560 : i32
      %broadcast_in_dim3A_562 = vector.broadcast %ge3A_561 : i1 to vector<16xi1>
      %broadcast_in_dim3A_563 = vector.broadcast %add3A_538 : i32 to vector<16xi32>
      %gather3A_564 = arith.constant 5 : i32
      %gather3A_565 = arith.constant 0 : i32
      %gather3A_566 = arith.constant 0 : i32
      %gather3A_567 = tpu.memref_slice %arg7[%gather3A_564, %gather3A_565, %gather3A_566] : memref<8x32x128xf32, #tpu.memory_space<vmem>> -> memref<1x32x128xf32, #tpu.memory_space<vmem>>
      %gather3A_568 = tpu.memref_squeeze %gather3A_567 : memref<1x32x128xf32, #tpu.memory_space<vmem>> -> memref<32x128xf32, #tpu.memory_space<vmem>>
      %gather3A_569 = tpu.vector_load_idx %gather3A_568[%iota3A, %broadcast_in_dim3A_552] : memref<32x128xf32, #tpu.memory_space<vmem>>[vector<16xi32>, vector<16xi32>], vector<16xf32>,
      %gather3A_570 = tpu.vector_load_idx %arg8[%iota3A, %broadcast_in_dim3A_559] : memref<32x64xf32, #tpu.memory_space<vmem>>[vector<16xi32>, vector<16xi32>], vector<16xf32>,
      %select_n3A_571 = arith.select %broadcast_in_dim3A_562, %gather3A_570, %gather3A_569 : vector<16xi1>, vector<16xf32>
      tpu.vector_store_idx %arg9[%iota3A, %broadcast_in_dim3A_563], %select_n3A_571 : memref<32x512xf32, #tpu.memory_space<vmem>>[vector<16xi32>, vector<16xi32>], vector<16xf32>,
      %gather3A_572 = arith.constant 5 : i32
      %gather3A_573 = arith.constant 0 : i32
      %gather3A_574 = arith.constant 0 : i32
      %gather3A_575 = tpu.memref_slice %arg7[%gather3A_572, %gather3A_573, %gather3A_574] : memref<8x32x128xf32, #tpu.memory_space<vmem>> -> memref<1x32x128xf32, #tpu.memory_space<vmem>>
      %gather3A_576 = tpu.memref_squeeze %gather3A_575 : memref<1x32x128xf32, #tpu.memory_space<vmem>> -> memref<32x128xf32, #tpu.memory_space<vmem>>
      %gather3A_577 = tpu.vector_load_idx %gather3A_576[%add3A_5, %broadcast_in_dim3A_552] : memref<32x128xf32, #tpu.memory_space<vmem>>[vector<16xi32>, vector<16xi32>], vector<16xf32>,
      %gather3A_578 = tpu.vector_load_idx %arg8[%add3A_5, %broadcast_in_dim3A_559] : memref<32x64xf32, #tpu.memory_space<vmem>>[vector<16xi32>, vector<16xi32>], vector<16xf32>,
      %select_n3A_579 = arith.select %broadcast_in_dim3A_562, %gather3A_578, %gather3A_577 : vector<16xi1>, vector<16xf32>
      tpu.vector_store_idx %arg9[%add3A_5, %broadcast_in_dim3A_563], %select_n3A_579 : memref<32x512xf32, #tpu.memory_space<vmem>>[vector<16xi32>, vector<16xi32>], vector<16xf32>,
      %add3A_580 = arith.constant 5 : i32
      %add3A_581 = arith.addi %mul3A_197, %add3A_580 : i32
      %add3A_582 = arith.constant 8 : i32
      %add3A_583 = arith.addi %add3A_581, %add3A_582 : i32
      %lt3A_584 = arith.constant 512 : i32
      %lt3A_585 = arith.cmpi slt, %add3A_583, %lt3A_584 : i32
      %convert_element_type3A_586 = arith.extui %lt3A_585 : i1 to i32
      %cond3A_587 = arith.constant 0 : i32
      %cond3A_588 = arith.cmpi ne, %convert_element_type3A_586, %cond3A_587 : i32
      scf.if %cond3A_588 {
        %add3A_723 = arith.constant 5 : i32
        %add3A_724 = arith.addi %mul3A_197, %add3A_723 : i32
        %add3A_725 = arith.constant 8 : i32
        %add3A_726 = arith.addi %add3A_724, %add3A_725 : i32
        %get3A_727 = arith.index_cast %add3A_726 : i32 to index
        %get3A_728 = tpu.vector_load %arg6[%get3A_727] {strides = array<i32>} : memref<528xi32, #tpu.memory_space<vmem>>, vector<16xi32>,
        %slice3A_729 = vector.extract_strided_slice %get3A_728 {offsets = [0], sizes = [1], strides = [1]} : vector<16xi32> to vector<1xi32>
        %squeeze3A_730 = vector.extract %slice3A_729[0] : i32 from vector<1xi32>
        %shift_right_arithmetic3A_731 = arith.constant 7 : i32
        %shift_right_arithmetic3A_732 = arith.shrsi %squeeze3A_730, %shift_right_arithmetic3A_731 : i32
        %shift_left3A_733 = arith.constant 7 : i32
        %shift_left3A_734 = arith.shli %shift_right_arithmetic3A_732, %shift_left3A_733 : i32
        %min3A_735 = arith.constant 999808 : i32
        %min3A_736 = arith.minsi %shift_left3A_734, %min3A_735 : i32
        %multiple_of3A_737 = tpu.assume_multiple %min3A_736, 128 : i32
        %dma_start3A_738 = arith.constant 5 : i32
        %dma_start3A_739 = arith.constant 0 : i32
        %dma_start3A_740 = arith.constant 0 : i32
        %dma_start3A_741 = tpu.memref_slice %arg7[%dma_start3A_738, %dma_start3A_739, %dma_start3A_740] : memref<8x32x128xf32, #tpu.memory_space<vmem>> -> memref<1x32x128xf32, #tpu.memory_space<vmem>>
        %dma_start3A_742 = tpu.memref_squeeze %dma_start3A_741 : memref<1x32x128xf32, #tpu.memory_space<vmem>> -> memref<32x128xf32, #tpu.memory_space<vmem>>
        %dma_start3A_743 = arith.constant 0 : i32
        %dma_start3A_744 = tpu.memref_slice %arg2[%dma_start3A_743, %multiple_of3A_737] : memref<32x1000000xf32, #tpu.memory_space<hbm>> -> memref<32x128xf32, #tpu.memory_space<hbm>>
        %dma_start3A_745 = arith.constant 0 : i32
        %dma_start3A_746 = arith.constant 0 : i32
        %dma_start3A_747 = tpu.memref_slice %arg7[%dma_start3A_738, %dma_start3A_745, %dma_start3A_746] : memref<8x32x128xf32, #tpu.memory_space<vmem>> -> memref<1x32x128xf32, #tpu.memory_space<vmem>>
        %dma_start3A_748 = tpu.memref_squeeze %dma_start3A_747 : memref<1x32x128xf32, #tpu.memory_space<vmem>> -> memref<32x128xf32, #tpu.memory_space<vmem>>
        %dma_start3A_749 = arith.constant 0 : i32
        %dma_start3A_750 = tpu.memref_slice %arg2[%dma_start3A_749, %multiple_of3A_737] : memref<32x1000000xf32, #tpu.memory_space<hbm>> -> memref<32x128xf32, #tpu.memory_space<hbm>>
        tpu.enqueue_dma source(%dma_start3A_750 : memref<32x128xf32, #tpu.memory_space<hbm>>) target(%dma_start3A_748 : memref<32x128xf32, #tpu.memory_space<vmem>>) target_semaphore(%arg15 : memref<!tpu.dma_semaphore, #tpu.memory_space<semaphore_mem>>)
      } else {
      }
      %dma_wait3A_589 = arith.constant 6 : i32
      %dma_wait3A_590 = arith.constant 0 : i32
      %dma_wait3A_591 = arith.constant 0 : i32
      %dma_wait3A_592 = tpu.memref_slice %arg7[%dma_wait3A_589, %dma_wait3A_590, %dma_wait3A_591] : memref<8x32x128xf32, #tpu.memory_space<vmem>> -> memref<1x32x128xf32, #tpu.memory_space<vmem>>
      %dma_wait3A_593 = tpu.memref_squeeze %dma_wait3A_592 : memref<1x32x128xf32, #tpu.memory_space<vmem>> -> memref<32x128xf32, #tpu.memory_space<vmem>>
      %dma_wait3A_594 = arith.constant 0 : i32
      %dma_wait3A_595 = arith.constant 0 : i32
      %dma_wait3A_596 = tpu.memref_slice %arg2[%dma_wait3A_594, %dma_wait3A_595] : memref<32x1000000xf32, #tpu.memory_space<hbm>> -> memref<32x128xf32, #tpu.memory_space<hbm>>
      %dma_wait3A_597 = arith.constant 0 : i32
      %dma_wait3A_598 = arith.constant 0 : i32
      %dma_wait3A_599 = tpu.memref_slice %arg7[%dma_wait3A_589, %dma_wait3A_597, %dma_wait3A_598] : memref<8x32x128xf32, #tpu.memory_space<vmem>> -> memref<1x32x128xf32, #tpu.memory_space<vmem>>
      %dma_wait3A_600 = tpu.memref_squeeze %dma_wait3A_599 : memref<1x32x128xf32, #tpu.memory_space<vmem>> -> memref<32x128xf32, #tpu.memory_space<vmem>>
      %dma_wait3A_601 = arith.constant 0 : i32
      %dma_wait3A_602 = arith.constant 0 : i32
      %dma_wait3A_603 = tpu.memref_slice %arg2[%dma_wait3A_601, %dma_wait3A_602] : memref<32x1000000xf32, #tpu.memory_space<hbm>> -> memref<32x128xf32, #tpu.memory_space<hbm>>
      tpu.wait_dma2 semaphore(%arg16 : memref<!tpu.dma_semaphore, #tpu.memory_space<semaphore_mem>>) src(%dma_wait3A_603 : memref<32x128xf32, #tpu.memory_space<hbm>>) dst(%dma_wait3A_600 : memref<32x128xf32, #tpu.memory_space<vmem>>)
      %add3A_604 = arith.constant 6 : i32
      %add3A_605 = arith.addi %mul3A_197, %add3A_604 : i32
      %get3A_606 = arith.index_cast %add3A_605 : i32 to index
      %get3A_607 = tpu.vector_load %arg6[%get3A_606] {strides = array<i32>} : memref<528xi32, #tpu.memory_space<vmem>>, vector<16xi32>,
      %slice3A_608 = vector.extract_strided_slice %get3A_607 {offsets = [0], sizes = [1], strides = [1]} : vector<16xi32> to vector<1xi32>
      %squeeze3A_609 = vector.extract %slice3A_608[0] : i32 from vector<1xi32>
      %shift_right_arithmetic3A_610 = arith.constant 7 : i32
      %shift_right_arithmetic3A_611 = arith.shrsi %squeeze3A_609, %shift_right_arithmetic3A_610 : i32
      %shift_left3A_612 = arith.constant 7 : i32
      %shift_left3A_613 = arith.shli %shift_right_arithmetic3A_611, %shift_left3A_612 : i32
      %min3A_614 = arith.constant 999808 : i32
      %min3A_615 = arith.minsi %shift_left3A_613, %min3A_614 : i32
      %sub3A_616 = arith.subi %squeeze3A_609, %min3A_615 : i32
      %min3A_617 = arith.constant 127 : i32
      %min3A_618 = arith.minsi %sub3A_616, %min3A_617 : i32
      %broadcast_in_dim3A_619 = vector.broadcast %min3A_618 : i32 to vector<16xi32>
      %sub3A_620 = arith.constant 999936 : i32
      %sub3A_621 = arith.subi %squeeze3A_609, %sub3A_620 : i32
      %jit3A_622 = arith.constant 0 : i32
      %jit3A_623 = arith.constant 63 : i32
      %max3A_624 = arith.maxsi %jit3A_622, %sub3A_621 : i32
      %min3A_625 = arith.minsi %jit3A_623, %max3A_624 : i32
      %broadcast_in_dim3A_626 = vector.broadcast %min3A_625 : i32 to vector<16xi32>
      %ge3A_627 = arith.constant 999936 : i32
      %ge3A_628 = arith.cmpi sge, %squeeze3A_609, %ge3A_627 : i32
      %broadcast_in_dim3A_629 = vector.broadcast %ge3A_628 : i1 to vector<16xi1>
      %broadcast_in_dim3A_630 = vector.broadcast %add3A_605 : i32 to vector<16xi32>
      %gather3A_631 = arith.constant 6 : i32
      %gather3A_632 = arith.constant 0 : i32
      %gather3A_633 = arith.constant 0 : i32
      %gather3A_634 = tpu.memref_slice %arg7[%gather3A_631, %gather3A_632, %gather3A_633] : memref<8x32x128xf32, #tpu.memory_space<vmem>> -> memref<1x32x128xf32, #tpu.memory_space<vmem>>
      %gather3A_635 = tpu.memref_squeeze %gather3A_634 : memref<1x32x128xf32, #tpu.memory_space<vmem>> -> memref<32x128xf32, #tpu.memory_space<vmem>>
      %gather3A_636 = tpu.vector_load_idx %gather3A_635[%iota3A, %broadcast_in_dim3A_619] : memref<32x128xf32, #tpu.memory_space<vmem>>[vector<16xi32>, vector<16xi32>], vector<16xf32>,
      %gather3A_637 = tpu.vector_load_idx %arg8[%iota3A, %broadcast_in_dim3A_626] : memref<32x64xf32, #tpu.memory_space<vmem>>[vector<16xi32>, vector<16xi32>], vector<16xf32>,
      %select_n3A_638 = arith.select %broadcast_in_dim3A_629, %gather3A_637, %gather3A_636 : vector<16xi1>, vector<16xf32>
      tpu.vector_store_idx %arg9[%iota3A, %broadcast_in_dim3A_630], %select_n3A_638 : memref<32x512xf32, #tpu.memory_space<vmem>>[vector<16xi32>, vector<16xi32>], vector<16xf32>,
      %gather3A_639 = arith.constant 6 : i32
      %gather3A_640 = arith.constant 0 : i32
      %gather3A_641 = arith.constant 0 : i32
      %gather3A_642 = tpu.memref_slice %arg7[%gather3A_639, %gather3A_640, %gather3A_641] : memref<8x32x128xf32, #tpu.memory_space<vmem>> -> memref<1x32x128xf32, #tpu.memory_space<vmem>>
      %gather3A_643 = tpu.memref_squeeze %gather3A_642 : memref<1x32x128xf32, #tpu.memory_space<vmem>> -> memref<32x128xf32, #tpu.memory_space<vmem>>
      %gather3A_644 = tpu.vector_load_idx %gather3A_643[%add3A_5, %broadcast_in_dim3A_619] : memref<32x128xf32, #tpu.memory_space<vmem>>[vector<16xi32>, vector<16xi32>], vector<16xf32>,
      %gather3A_645 = tpu.vector_load_idx %arg8[%add3A_5, %broadcast_in_dim3A_626] : memref<32x64xf32, #tpu.memory_space<vmem>>[vector<16xi32>, vector<16xi32>], vector<16xf32>,
      %select_n3A_646 = arith.select %broadcast_in_dim3A_629, %gather3A_645, %gather3A_644 : vector<16xi1>, vector<16xf32>
      tpu.vector_store_idx %arg9[%add3A_5, %broadcast_in_dim3A_630], %select_n3A_646 : memref<32x512xf32, #tpu.memory_space<vmem>>[vector<16xi32>, vector<16xi32>], vector<16xf32>,
      %add3A_647 = arith.constant 6 : i32
      %add3A_648 = arith.addi %mul3A_197, %add3A_647 : i32
      %add3A_649 = arith.constant 8 : i32
      %add3A_650 = arith.addi %add3A_648, %add3A_649 : i32
      %lt3A_651 = arith.constant 512 : i32
      %lt3A_652 = arith.cmpi slt, %add3A_650, %lt3A_651 : i32
      %convert_element_type3A_653 = arith.extui %lt3A_652 : i1 to i32
      %cond3A_654 = arith.constant 0 : i32
      %cond3A_655 = arith.cmpi ne, %convert_element_type3A_653, %cond3A_654 : i32
      scf.if %cond3A_655 {
        %add3A_723 = arith.constant 6 : i32
        %add3A_724 = arith.addi %mul3A_197, %add3A_723 : i32
        %add3A_725 = arith.constant 8 : i32
        %add3A_726 = arith.addi %add3A_724, %add3A_725 : i32
        %get3A_727 = arith.index_cast %add3A_726 : i32 to index
        %get3A_728 = tpu.vector_load %arg6[%get3A_727] {strides = array<i32>} : memref<528xi32, #tpu.memory_space<vmem>>, vector<16xi32>,
        %slice3A_729 = vector.extract_strided_slice %get3A_728 {offsets = [0], sizes = [1], strides = [1]} : vector<16xi32> to vector<1xi32>
        %squeeze3A_730 = vector.extract %slice3A_729[0] : i32 from vector<1xi32>
        %shift_right_arithmetic3A_731 = arith.constant 7 : i32
        %shift_right_arithmetic3A_732 = arith.shrsi %squeeze3A_730, %shift_right_arithmetic3A_731 : i32
        %shift_left3A_733 = arith.constant 7 : i32
        %shift_left3A_734 = arith.shli %shift_right_arithmetic3A_732, %shift_left3A_733 : i32
        %min3A_735 = arith.constant 999808 : i32
        %min3A_736 = arith.minsi %shift_left3A_734, %min3A_735 : i32
        %multiple_of3A_737 = tpu.assume_multiple %min3A_736, 128 : i32
        %dma_start3A_738 = arith.constant 6 : i32
        %dma_start3A_739 = arith.constant 0 : i32
        %dma_start3A_740 = arith.constant 0 : i32
        %dma_start3A_741 = tpu.memref_slice %arg7[%dma_start3A_738, %dma_start3A_739, %dma_start3A_740] : memref<8x32x128xf32, #tpu.memory_space<vmem>> -> memref<1x32x128xf32, #tpu.memory_space<vmem>>
        %dma_start3A_742 = tpu.memref_squeeze %dma_start3A_741 : memref<1x32x128xf32, #tpu.memory_space<vmem>> -> memref<32x128xf32, #tpu.memory_space<vmem>>
        %dma_start3A_743 = arith.constant 0 : i32
        %dma_start3A_744 = tpu.memref_slice %arg2[%dma_start3A_743, %multiple_of3A_737] : memref<32x1000000xf32, #tpu.memory_space<hbm>> -> memref<32x128xf32, #tpu.memory_space<hbm>>
        %dma_start3A_745 = arith.constant 0 : i32
        %dma_start3A_746 = arith.constant 0 : i32
        %dma_start3A_747 = tpu.memref_slice %arg7[%dma_start3A_738, %dma_start3A_745, %dma_start3A_746] : memref<8x32x128xf32, #tpu.memory_space<vmem>> -> memref<1x32x128xf32, #tpu.memory_space<vmem>>
        %dma_start3A_748 = tpu.memref_squeeze %dma_start3A_747 : memref<1x32x128xf32, #tpu.memory_space<vmem>> -> memref<32x128xf32, #tpu.memory_space<vmem>>
        %dma_start3A_749 = arith.constant 0 : i32
        %dma_start3A_750 = tpu.memref_slice %arg2[%dma_start3A_749, %multiple_of3A_737] : memref<32x1000000xf32, #tpu.memory_space<hbm>> -> memref<32x128xf32, #tpu.memory_space<hbm>>
        tpu.enqueue_dma source(%dma_start3A_750 : memref<32x128xf32, #tpu.memory_space<hbm>>) target(%dma_start3A_748 : memref<32x128xf32, #tpu.memory_space<vmem>>) target_semaphore(%arg16 : memref<!tpu.dma_semaphore, #tpu.memory_space<semaphore_mem>>)
      } else {
      }
      %dma_wait3A_656 = arith.constant 7 : i32
      %dma_wait3A_657 = arith.constant 0 : i32
      %dma_wait3A_658 = arith.constant 0 : i32
      %dma_wait3A_659 = tpu.memref_slice %arg7[%dma_wait3A_656, %dma_wait3A_657, %dma_wait3A_658] : memref<8x32x128xf32, #tpu.memory_space<vmem>> -> memref<1x32x128xf32, #tpu.memory_space<vmem>>
      %dma_wait3A_660 = tpu.memref_squeeze %dma_wait3A_659 : memref<1x32x128xf32, #tpu.memory_space<vmem>> -> memref<32x128xf32, #tpu.memory_space<vmem>>
      %dma_wait3A_661 = arith.constant 0 : i32
      %dma_wait3A_662 = arith.constant 0 : i32
      %dma_wait3A_663 = tpu.memref_slice %arg2[%dma_wait3A_661, %dma_wait3A_662] : memref<32x1000000xf32, #tpu.memory_space<hbm>> -> memref<32x128xf32, #tpu.memory_space<hbm>>
      %dma_wait3A_664 = arith.constant 0 : i32
      %dma_wait3A_665 = arith.constant 0 : i32
      %dma_wait3A_666 = tpu.memref_slice %arg7[%dma_wait3A_656, %dma_wait3A_664, %dma_wait3A_665] : memref<8x32x128xf32, #tpu.memory_space<vmem>> -> memref<1x32x128xf32, #tpu.memory_space<vmem>>
      %dma_wait3A_667 = tpu.memref_squeeze %dma_wait3A_666 : memref<1x32x128xf32, #tpu.memory_space<vmem>> -> memref<32x128xf32, #tpu.memory_space<vmem>>
      %dma_wait3A_668 = arith.constant 0 : i32
      %dma_wait3A_669 = arith.constant 0 : i32
      %dma_wait3A_670 = tpu.memref_slice %arg2[%dma_wait3A_668, %dma_wait3A_669] : memref<32x1000000xf32, #tpu.memory_space<hbm>> -> memref<32x128xf32, #tpu.memory_space<hbm>>
      tpu.wait_dma2 semaphore(%arg17 : memref<!tpu.dma_semaphore, #tpu.memory_space<semaphore_mem>>) src(%dma_wait3A_670 : memref<32x128xf32, #tpu.memory_space<hbm>>) dst(%dma_wait3A_667 : memref<32x128xf32, #tpu.memory_space<vmem>>)
      %add3A_671 = arith.constant 7 : i32
      %add3A_672 = arith.addi %mul3A_197, %add3A_671 : i32
      %get3A_673 = arith.index_cast %add3A_672 : i32 to index
      %get3A_674 = tpu.vector_load %arg6[%get3A_673] {strides = array<i32>} : memref<528xi32, #tpu.memory_space<vmem>>, vector<16xi32>,
      %slice3A_675 = vector.extract_strided_slice %get3A_674 {offsets = [0], sizes = [1], strides = [1]} : vector<16xi32> to vector<1xi32>
      %squeeze3A_676 = vector.extract %slice3A_675[0] : i32 from vector<1xi32>
      %shift_right_arithmetic3A_677 = arith.constant 7 : i32
      %shift_right_arithmetic3A_678 = arith.shrsi %squeeze3A_676, %shift_right_arithmetic3A_677 : i32
      %shift_left3A_679 = arith.constant 7 : i32
      %shift_left3A_680 = arith.shli %shift_right_arithmetic3A_678, %shift_left3A_679 : i32
      %min3A_681 = arith.constant 999808 : i32
      %min3A_682 = arith.minsi %shift_left3A_680, %min3A_681 : i32
      %sub3A_683 = arith.subi %squeeze3A_676, %min3A_682 : i32
      %min3A_684 = arith.constant 127 : i32
      %min3A_685 = arith.minsi %sub3A_683, %min3A_684 : i32
      %broadcast_in_dim3A_686 = vector.broadcast %min3A_685 : i32 to vector<16xi32>
      %sub3A_687 = arith.constant 999936 : i32
      %sub3A_688 = arith.subi %squeeze3A_676, %sub3A_687 : i32
      %jit3A_689 = arith.constant 0 : i32
      %jit3A_690 = arith.constant 63 : i32
      %max3A_691 = arith.maxsi %jit3A_689, %sub3A_688 : i32
      %min3A_692 = arith.minsi %jit3A_690, %max3A_691 : i32
      %broadcast_in_dim3A_693 = vector.broadcast %min3A_692 : i32 to vector<16xi32>
      %ge3A_694 = arith.constant 999936 : i32
      %ge3A_695 = arith.cmpi sge, %squeeze3A_676, %ge3A_694 : i32
      %broadcast_in_dim3A_696 = vector.broadcast %ge3A_695 : i1 to vector<16xi1>
      %broadcast_in_dim3A_697 = vector.broadcast %add3A_672 : i32 to vector<16xi32>
      %gather3A_698 = arith.constant 7 : i32
      %gather3A_699 = arith.constant 0 : i32
      %gather3A_700 = arith.constant 0 : i32
      %gather3A_701 = tpu.memref_slice %arg7[%gather3A_698, %gather3A_699, %gather3A_700] : memref<8x32x128xf32, #tpu.memory_space<vmem>> -> memref<1x32x128xf32, #tpu.memory_space<vmem>>
      %gather3A_702 = tpu.memref_squeeze %gather3A_701 : memref<1x32x128xf32, #tpu.memory_space<vmem>> -> memref<32x128xf32, #tpu.memory_space<vmem>>
      %gather3A_703 = tpu.vector_load_idx %gather3A_702[%iota3A, %broadcast_in_dim3A_686] : memref<32x128xf32, #tpu.memory_space<vmem>>[vector<16xi32>, vector<16xi32>], vector<16xf32>,
      %gather3A_704 = tpu.vector_load_idx %arg8[%iota3A, %broadcast_in_dim3A_693] : memref<32x64xf32, #tpu.memory_space<vmem>>[vector<16xi32>, vector<16xi32>], vector<16xf32>,
      %select_n3A_705 = arith.select %broadcast_in_dim3A_696, %gather3A_704, %gather3A_703 : vector<16xi1>, vector<16xf32>
      tpu.vector_store_idx %arg9[%iota3A, %broadcast_in_dim3A_697], %select_n3A_705 : memref<32x512xf32, #tpu.memory_space<vmem>>[vector<16xi32>, vector<16xi32>], vector<16xf32>,
      %gather3A_706 = arith.constant 7 : i32
      %gather3A_707 = arith.constant 0 : i32
      %gather3A_708 = arith.constant 0 : i32
      %gather3A_709 = tpu.memref_slice %arg7[%gather3A_706, %gather3A_707, %gather3A_708] : memref<8x32x128xf32, #tpu.memory_space<vmem>> -> memref<1x32x128xf32, #tpu.memory_space<vmem>>
      %gather3A_710 = tpu.memref_squeeze %gather3A_709 : memref<1x32x128xf32, #tpu.memory_space<vmem>> -> memref<32x128xf32, #tpu.memory_space<vmem>>
      %gather3A_711 = tpu.vector_load_idx %gather3A_710[%add3A_5, %broadcast_in_dim3A_686] : memref<32x128xf32, #tpu.memory_space<vmem>>[vector<16xi32>, vector<16xi32>], vector<16xf32>,
      %gather3A_712 = tpu.vector_load_idx %arg8[%add3A_5, %broadcast_in_dim3A_693] : memref<32x64xf32, #tpu.memory_space<vmem>>[vector<16xi32>, vector<16xi32>], vector<16xf32>,
      %select_n3A_713 = arith.select %broadcast_in_dim3A_696, %gather3A_712, %gather3A_711 : vector<16xi1>, vector<16xf32>
      tpu.vector_store_idx %arg9[%add3A_5, %broadcast_in_dim3A_697], %select_n3A_713 : memref<32x512xf32, #tpu.memory_space<vmem>>[vector<16xi32>, vector<16xi32>], vector<16xf32>,
      %add3A_714 = arith.constant 7 : i32
      %add3A_715 = arith.addi %mul3A_197, %add3A_714 : i32
      %add3A_716 = arith.constant 8 : i32
      %add3A_717 = arith.addi %add3A_715, %add3A_716 : i32
      %lt3A_718 = arith.constant 512 : i32
      %lt3A_719 = arith.cmpi slt, %add3A_717, %lt3A_718 : i32
      %convert_element_type3A_720 = arith.extui %lt3A_719 : i1 to i32
      %cond3A_721 = arith.constant 0 : i32
      %cond3A_722 = arith.cmpi ne, %convert_element_type3A_720, %cond3A_721 : i32
      scf.if %cond3A_722 {
        %add3A_723 = arith.constant 7 : i32
        %add3A_724 = arith.addi %mul3A_197, %add3A_723 : i32
        %add3A_725 = arith.constant 8 : i32
        %add3A_726 = arith.addi %add3A_724, %add3A_725 : i32
        %get3A_727 = arith.index_cast %add3A_726 : i32 to index
        %get3A_728 = tpu.vector_load %arg6[%get3A_727] {strides = array<i32>} : memref<528xi32, #tpu.memory_space<vmem>>, vector<16xi32>,
        %slice3A_729 = vector.extract_strided_slice %get3A_728 {offsets = [0], sizes = [1], strides = [1]} : vector<16xi32> to vector<1xi32>
        %squeeze3A_730 = vector.extract %slice3A_729[0] : i32 from vector<1xi32>
        %shift_right_arithmetic3A_731 = arith.constant 7 : i32
        %shift_right_arithmetic3A_732 = arith.shrsi %squeeze3A_730, %shift_right_arithmetic3A_731 : i32
        %shift_left3A_733 = arith.constant 7 : i32
        %shift_left3A_734 = arith.shli %shift_right_arithmetic3A_732, %shift_left3A_733 : i32
        %min3A_735 = arith.constant 999808 : i32
        %min3A_736 = arith.minsi %shift_left3A_734, %min3A_735 : i32
        %multiple_of3A_737 = tpu.assume_multiple %min3A_736, 128 : i32
        %dma_start3A_738 = arith.constant 7 : i32
        %dma_start3A_739 = arith.constant 0 : i32
        %dma_start3A_740 = arith.constant 0 : i32
        %dma_start3A_741 = tpu.memref_slice %arg7[%dma_start3A_738, %dma_start3A_739, %dma_start3A_740] : memref<8x32x128xf32, #tpu.memory_space<vmem>> -> memref<1x32x128xf32, #tpu.memory_space<vmem>>
        %dma_start3A_742 = tpu.memref_squeeze %dma_start3A_741 : memref<1x32x128xf32, #tpu.memory_space<vmem>> -> memref<32x128xf32, #tpu.memory_space<vmem>>
        %dma_start3A_743 = arith.constant 0 : i32
        %dma_start3A_744 = tpu.memref_slice %arg2[%dma_start3A_743, %multiple_of3A_737] : memref<32x1000000xf32, #tpu.memory_space<hbm>> -> memref<32x128xf32, #tpu.memory_space<hbm>>
        %dma_start3A_745 = arith.constant 0 : i32
        %dma_start3A_746 = arith.constant 0 : i32
        %dma_start3A_747 = tpu.memref_slice %arg7[%dma_start3A_738, %dma_start3A_745, %dma_start3A_746] : memref<8x32x128xf32, #tpu.memory_space<vmem>> -> memref<1x32x128xf32, #tpu.memory_space<vmem>>
        %dma_start3A_748 = tpu.memref_squeeze %dma_start3A_747 : memref<1x32x128xf32, #tpu.memory_space<vmem>> -> memref<32x128xf32, #tpu.memory_space<vmem>>
        %dma_start3A_749 = arith.constant 0 : i32
        %dma_start3A_750 = tpu.memref_slice %arg2[%dma_start3A_749, %multiple_of3A_737] : memref<32x1000000xf32, #tpu.memory_space<hbm>> -> memref<32x128xf32, #tpu.memory_space<hbm>>
        tpu.enqueue_dma source(%dma_start3A_750 : memref<32x128xf32, #tpu.memory_space<hbm>>) target(%dma_start3A_748 : memref<32x128xf32, #tpu.memory_space<vmem>>) target_semaphore(%arg17 : memref<!tpu.dma_semaphore, #tpu.memory_space<semaphore_mem>>)
      } else {
      }
    }
    %scan3A_194 = arith.constant 64 : i32
    "tpu.region"() ({
      %run_scoped3A = tpu.sem_alloc : memref<!tpu.dma_semaphore, #tpu.memory_space<semaphore_mem>>
      %dma_start3A_195 = arith.constant 0 : i32
      %dma_start3A_196 = tpu.memref_slice %arg5[%dma_start3A_195, %mul3A_2] : memref<32x16384xf32, #tpu.memory_space<hbm>> -> memref<32x512xf32, #tpu.memory_space<hbm>>
      %dma_start3A_197 = arith.constant 0 : i32
      %dma_start3A_198 = tpu.memref_slice %arg5[%dma_start3A_197, %mul3A_2] : memref<32x16384xf32, #tpu.memory_space<hbm>> -> memref<32x512xf32, #tpu.memory_space<hbm>>
      tpu.enqueue_dma source(%arg9 : memref<32x512xf32, #tpu.memory_space<vmem>>) target(%dma_start3A_198 : memref<32x512xf32, #tpu.memory_space<hbm>>) target_semaphore(%run_scoped3A : memref<!tpu.dma_semaphore, #tpu.memory_space<semaphore_mem>>)
      %dma_wait3A = arith.constant 0 : i32
      %dma_wait3A_199 = tpu.memref_slice %arg5[%dma_wait3A, %mul3A_2] : memref<32x16384xf32, #tpu.memory_space<hbm>> -> memref<32x512xf32, #tpu.memory_space<hbm>>
      %dma_wait3A_200 = arith.constant 0 : i32
      %dma_wait3A_201 = tpu.memref_slice %arg5[%dma_wait3A_200, %mul3A_2] : memref<32x16384xf32, #tpu.memory_space<hbm>> -> memref<32x512xf32, #tpu.memory_space<hbm>>
      tpu.wait_dma2 semaphore(%run_scoped3A : memref<!tpu.dma_semaphore, #tpu.memory_space<semaphore_mem>>) src(%arg9 : memref<32x512xf32, #tpu.memory_space<vmem>>) dst(%dma_wait3A_201 : memref<32x512xf32, #tpu.memory_space<hbm>>)
      tpu.yield
    }) : () -> ()
    return
  }
}

</mosaic_0001>

<sc_bundles>
// kernel: kernel.3.cloned.1.call-start
scs
__scs_entry_jumppad:
0x0: {  	(pc) =	sbr.rel $0x88, $3  }
0x1: {  	(tag) =	ssettag $0x0;
	lr =	simm.s32 $0x1  }
0x2: {  	[smem:$0x3F9F] =	sst lr;
	_ =	strace $0xD0000000  }
0x3: {  	_ = 	snop  }
0x4: {  	_ = 	snop  }
0x5: {  	_ = 	snop  }
0x6: {  	_ = 	snop  }
0x7: {  	_ = 	snop  }
__scs_overlays_trampoline_lowered:
0x8: {  	[smem:$0x3FAE] =	sst s0  }
0x9: {  	[smem:$0x3FAF] =	sst s1  }
0xa: {  	[smem:$0x3FB0] =	sst s2  }
0xb: {  	[smem:$0x3FB1] =	sst s3  }
0xc: {  	[smem:$0x3FB2] =	sst s4  }
0xd: {  	[smem:$0x3FB3] =	sst s5  }
0xe: {  	[smem:$0x3FB4] =	sst s6  }
0xf: {  	[smem:$0x3FB5] =	sst s7  }
0x10: {  	[smem:$0x3FB6] =	sst s8  }
0x11: {  	[smem:$0x3FB7] =	sst s9;
	s0 =	simm.s32 @!p0 $0x0  }
0x12: {  	s1 =	sld [smem:$0x3F9D];
	s0 =	simm.s32 @p0 $0x1  }
0x13: {  	[smem:$0x3FB8] =	sst s0;
	s0 =	simm.s32 @!p1 $0x0  }
0x14: {  	s2 =	sld [smem:$0x3F9C];
	s0 =	simm.s32 @p1 $0x1  }
0x15: {  	[smem:$0x3FB9] =	sst s0;
	s0 =	simm.s32 @!p2 $0x0  }
0x16: {  	s3 =	sld [smem:$0x3FDB];
	s0 =	simm.s32 @p2 $0x1  }
0x17: {  	s4 =	simm.s32 $0x1BF5;
	[smem:$0x3FBB] =	sst s0  }
0x18: {  	s0 =	sld [smem:$0x3F9E];
	_ =	swait.ge [sflag:s4], $0x0  }
0x19: {  	s7 =	sld [smem:$0x3F9F]  }
0x1a: {  	s8 =	sadd.s32 $0xFFFFE003, lr  }
0x1b: {  	s9 =	sadd.s32 $0xFFFFFEF7, lr;
	s5 =	simm.s32 $0xFFFFFFFF;
	p2 =	slt.u32 s8, $0xFFFFF086  }
0x1c: {  	p1 =	slt.u32 s9, $0xF7A;
	s5 =	simm.s32 @!p2 $0x0  }
0x1d: {  	s5 =	simm.s32 @p1 $0x1;
	p0 =	seq.s32 s7, s2  }
0x1e: {  	s7 =	smul.u32 @!p0 $0xF7A, s2;
	p2 =	seq.s32 @!p0 s5, $0x0  }
0x1f: {  	s9 =	smul.u32 $0xF7A, s1;
	s8 =	simm.s32 @!p0 $0x1BF5;
	p2 =	por !p2, p0  }
0x20: {  	[sflag:s8] =	ssyncset.s32 @!p0 $0xFFFFF086;
	s6 =	sadd.s32 @!p0 s3, s7;
	s7 =	simm.s32 @!p0 $0x108  }
0x21: {  	s3 =	sadd.s32 s3, s9;
	s6 =	sadd.s32 @!p0 $0x88, s6;
	s7 =	simm.s32 @p2 $0x1082  }
0x22: {  	[simem:s7], [sflag:s8] =	dma.local @!p0 [hbm:s6], $0xF7A  }
0x23: {  	s9 =	sor.u32 $0xD0000000, s2;
	s6 =	simm.s32 $0x108;
	_ =	swait.ge @!p0 [sflag:s8], $0x0  }
0x24: {  	s3 =	sadd.s32 $0x88, s3;
	s6 =	simm.s32 @!p1 $0x1082;
	[sflag:s4] =	ssyncset.s32 $0xFFFFF086  }
0x25: {  	[simem:s6], [sflag:s4] =	dma.local [hbm:s3], $0xF7A  }
0x26: {  	[smem:$0x3F9F] =	sst s1;
	(tag) =	ssettag s2;
	_ =	strace s9  }
0x27: {  	s1 =	sld [smem:$0x3FAF]  }
0x28: {  	s2 =	sld [smem:$0x3FB0]  }
0x29: {  	s4 =	sld [smem:$0x3FB2]  }
0x2a: {  	p0 =	seq.s32 s5, $0x0;
	s5 =	sld [smem:$0x3FB3]  }
0x2b: {  	s6 =	sld [smem:$0x3FB4]  }
0x2c: {  	s7 =	sld [smem:$0x3FB5]  }
0x2d: {  	s3 =	simm.s32 $0x108;
	s8 =	sld [smem:$0x3FB6]  }
0x2e: {  	s3 =	simm.s32 @!p0 $0x1082;
	s9 =	sld [smem:$0x3FB7]  }
0x2f: {  	lr =	sadd.s32 s0, s3;
	s0 =	sld [smem:$0x3FAE]  }
0x30: {  	s3 =	sld [smem:$0x3FB1]  }
0x31: {  	[smem:$0x3FBA] =	sst s10  }
0x32: {  	s10 =	sld [smem:$0x3FB8];
	_ =	sdelay $0x3  }
0x33: {  	p0 =	seq.s32 s10, $0x1;
	s10 =	sld [smem:$0x3FBA];
	_ =	sdelay $0x3  }
0x34: {  	[smem:$0x3FBA] =	sst s10  }
0x35: {  	s10 =	sld [smem:$0x3FB9];
	_ =	sdelay $0x3  }
0x36: {  	p1 =	seq.s32 s10, $0x1;
	s10 =	sld [smem:$0x3FBA];
	_ =	sdelay $0x3  }
0x37: {  	[smem:$0x3FBA] =	sst s10  }
0x38: {  	s10 =	sld [smem:$0x3FBB]  }
0x39: {  	_ = 	snop;
	(pc) =	sbr.ind lr, $3  }
0x3a: {  	_ = 	snop  }
0x3b: {  	_ = 	snop  }
0x3c: {  	p2 =	seq.s32 s10, $0x1;
	s10 =	sld [smem:$0x3FBA]  }
0x3d: {  	_ =	shalt  }
0x3e: {  	_ =	shalt  }
0x3f: {  	_ =	shalt  }
0x40: {  	_ =	shalt  }
0x41: {  	_ =	shalt  }
0x42: {  	_ =	shalt  }
0x43: {  	_ =	shalt  }
0x44: {  	_ =	shalt  }
0x45: {  	_ =	shalt  }
0x46: {  	_ =	shalt  }
0x47: {  	_ =	shalt  }
0x48: {  	_ =	shalt  }
0x49: {  	_ =	shalt  }
0x4a: {  	_ =	shalt  }
0x4b: {  	_ =	shalt  }
0x4c: {  	_ =	shalt  }
0x4d: {  	_ =	shalt  }
0x4e: {  	_ =	shalt  }
0x4f: {  	_ =	shalt  }
0x50: {  	_ =	shalt  }
0x51: {  	_ =	shalt  }
0x52: {  	_ =	shalt  }
0x53: {  	_ =	shalt  }
0x54: {  	_ =	shalt  }
0x55: {  	_ =	shalt  }
0x56: {  	_ =	shalt  }
0x57: {  	_ =	shalt  }
0x58: {  	_ =	shalt  }
0x59: {  	_ =	shalt  }
0x5a: {  	_ =	shalt  }
0x5b: {  	_ =	shalt  }
0x5c: {  	_ =	shalt  }
0x5d: {  	_ =	shalt  }
0x5e: {  	_ =	shalt  }
0x5f: {  	_ =	shalt  }
0x60: {  	_ =	shalt  }
0x61: {  	_ =	shalt  }
0x62: {  	_ =	shalt  }
0x63: {  	_ =	shalt  }
0x64: {  	_ =	shalt  }
0x65: {  	_ =	shalt  }
0x66: {  	_ =	shalt  }
0x67: {  	_ =	shalt  }
0x68: {  	_ =	shalt  }
0x69: {  	_ =	shalt  }
0x6a: {  	_ =	shalt  }
0x6b: {  	_ =	shalt  }
0x6c: {  	_ =	shalt  }
0x6d: {  	_ =	shalt  }
0x6e: {  	_ =	shalt  }
0x6f: {  	_ =	shalt  }
0x70: {  	_ =	shalt  }
0x71: {  	_ =	shalt  }
0x72: {  	_ =	shalt  }
0x73: {  	_ =	shalt  }
0x74: {  	_ =	shalt  }
0x75: {  	_ =	shalt  }
0x76: {  	_ =	shalt  }
0x77: {  	_ =	shalt  }
0x78: {  	_ =	shalt  }
0x79: {  	_ =	shalt  }
0x7a: {  	_ =	shalt  }
0x7b: {  	_ =	shalt  }
0x7c: {  	_ =	shalt  }
0x7d: {  	_ =	shalt  }
0x7e: {  	_ =	shalt  }
0x7f: {  	_ =	shalt  }
0x80: {  	_ =	shalt  }
0x81: {  	_ =	shalt  }
0x82: {  	_ =	shalt  }
0x83: {  	_ =	shalt  }
0x84: {  	_ =	shalt  }
0x85: {  	_ =	shalt  }
0x86: {  	_ =	shalt  }
0x87: {  	_ =	shalt  }
.Lfunc_end0:
.L_simem_size_0:
called_computation_lowered:
.L_overlay_start_0:
0x88: {  	s2 =	sld [smem:$0x3FD9]  }
0x89: {  	s3 =	sld [smem:$0x3FFE];
	_ =	sdelay $0x1  }
0x8a: {  	s1 =	srdreg.scid  }
0x8b: {  	s0 =	sand.u32 $0x1, s1  }
0x8c: {  	s17 =	sshll.u32 s0, $0xA;
	s2 =	sadd.s32 s3, s2  }
0x8d: {  	s2 =	sadd.s32 s2, s17  }
0x8e: {  	[smem:$0x3FC6] =	sst s2  }
0x8f: {  	_ = 	snop  }
0x90: {  	s2 =	sld [smem:$0x3FC9]  }
0x91: {  	s18 =	sld [smem:$0x3FC8]  }
0x92: {  	s4 =	sld [smem:$0x3FD0];
	(tm) =	ssettm $0x1  }
0x93: {  	s5 =	sld [smem:$0x3FFB];
	_ =	sdelay $0x3  }
0x94: {  	_ =	strace s5  }
0x95: {  	s5 =	sld [smem:$0x3FFC];
	_ =	sdelay $0x3  }
0x96: {  	_ =	strace s5  }
0x97: {  	s5 =	sld [smem:$0x3FFD];
	_ =	sdelay $0x3  }
0x98: {  	_ =	strace s5  }
0x99: {  	_ =	strace $0x8FFFFFFF  }
0x9a: {  	s19 =	sld [smem:$0x3FDB];
	_ =	sdelay $0x1  }
0x9b: {  	s6 =	simm.s32 $_scs_section_size  }
0x9c: {  	s7 =	simm.s32 $_size__tile_overlayer_lowered;
	s8 =	simm.s32 $_tile_overlayer_lowered  }
0x9d: {  	s22 =	simm.s32 $0x1BFF;
	s21 =	sshll.u32 s8, $0x1;
	s5 =	sadd.s32 s6, s19  }
0x9e: {  	s9 =	simm.s32 $0x0;
	s20 =	sshll.u32 s7, $0x1;
	s7 =	sadd.s32 s21, s5  }
0x9f: {  	[timem:s9], [sflag:s22] =	dma.local [hbm:s7], s20  }
0xa0: {  	_ =	swait.ge [sflag:s22], s20  }
0xa1: {  	s6 =	ssub.s32 $0x0, s20;
	[sflag:s22] =	ssyncset.done $0x0  }
0xa2: {  	[sflag:s22] =	ssyncadd.s32 s6;
	_ =	sdelay $0x1  }
0xa3: {  	s23 =	simm.s32 $0x1B8B  }
0xa4: {  	_ =	swait.ge [sflag:s23], $0x1  }
0xa5: {  	[sflag:s23] =	ssyncset.done $0x0  }
0xa6: {  	s25 =	simm.s32 $0x1B8E;
	s24 =	sld [smem:$0x3FFE];
	[sflag:s23] =	ssyncadd.s32 $0xFFFFFFFF  }
0xa7: {  	s26 =	simm.s32 $execute0_lowered;
	[smem:$0x3FD2] =	sst s25  }
0xa8: {  	s7 =	sshll.u32 s26, $0x1;
	_ =	strace $0x80000046;
	[dreg:$0x1] =	wrdreg $0xFFFFFFFF  }
0xa9: {  	s28 =	simm.s32 $_size_execute0_lowered;
	s5 =	sadd.s32 s5, s7;
	[dreg:$0x0] =	wrdreg $0x0  }
0xaa: {  	s7 =	sshll.u32 s28, $0x1;
	[dreg:$0x2] =	wrdreg s5  }
0xab: {  	[dreg:$0x3] =	wrdreg s7  }
0xac: {  	[dreg:$0x4] =	wrdreg $0xC0  }
0xad: {  	_ =	task [dreg:s9], $0x5FFFF  }
0xae: {  	[dreg:$0x1] =	wrdreg $0xFFFFFFFF  }
0xaf: {  	[dreg:$0x0] =	wrdreg $0x60  }
0xb0: {  	[dreg:$0x2] =	wrdreg s18  }
0xb1: {  	[dreg:$0x3] =	wrdreg s2  }
0xb2: {  	[dreg:$0x4] =	wrdreg s24  }
0xb3: {  	[dreg:$0x5] =	wrdreg s4  }
0xb4: {  	[dreg:$0x6] =	wrdreg $0x9  }
0xb5: {  	_ =	task.clear_ibuf [dreg:s9], $0x7FFFF;
	_ =	strace $0x90000046  }
0xb6: {  	s29 =	simm.s32 $0x9;
	_ =	strace $0x80000048  }
0xb7: {  	_ =	swait.ge [sflag:s29], $0x1  }
0xb8: {  	[sflag:s29] =	ssyncadd.s32 $0xFFFFFFFF  }
0xb9: {  	_ =	strace $0x90000048  }
0xba: {  	_ =	sfence  }
0xbb: {  	s30 =	sld [smem:$0x0];
	_ =	sdelay $0x2  }
0xbc: {  	s31 =	sshll.u32 s1, $0xD;
	s1 =	sshrl.u32 s1, $0x2  }
0xbd: {  	s3 =	sand.u32 $0x4000, s31;
	s1 =	sadd.s32 s1, s30  }
0xbe: {  	s0 =	sor.u32 s3, s0;
	s1 =	sshll.u32 s1, $0x11  }
0xbf: {  	s0 =	sor.u32 s1, s0  }
0xc0: {  	s0 =	sadd.s32 $0x8F2B, s0  }
0xc1: {  	[sflag:s0] =	ssyncadd.remote.s32 $0x1  }
0xc2: {  	_ =	sfence.sel $0xFFFF  }
0xc3: {  	[dreg:$0x0] =	wrdreg $0xFFFFFFFF;
	(pc) =	sbr.abs _section_cstart, $3  }
0xc4: {  	[dreg:$0x1] =	wrdreg $0xFFFFFFFF  }
0xc5: {  	_ =	task.clear_ibuf [dreg:s9], $0x2FFFF;
	_ =	strace $0x9FFFFFFF  }
0xc6: {  	(tm) =	ssettm $0x7FFFFFFF  }
0xc7: {  	_ =	shalt  }
tec
execute0_lowered:
.L_overlay_start_1:
0x0: {  	(tag) =	ssettag $0x1  }
0x1: {  	s0 =	rddreg [dreg:$0x0]  }
0x2: {  	v0 =	vlaneseq.u32;
	s1 =	rddreg [dreg:$0x1];
	v1 =	vimm.s32 $0x1380  }
0x3: {  	s2 =	rddreg [dreg:$0x2];
	vm0 =	vcmask $0x300;
	v2 =	vimm.s32 $0x3380;
	vm1 =	vcmask $0x704  }
0x4: {  	s3 =	rddreg [dreg:$0x3];
	s5 =	simm.s32 $0x0;
	s4 =	srdreg.scid;
	vm15 =	vcmask $0xB08;
	v1 =	vsel vm0, $0x0, v1;
	v2 =	vsel vm0, $0x2000, v2  }
0x5: {  	s6 =	stileid.u32;
	vm4 =	vcmask $0xF0C;
	s9 =	simm.s32 $0x8280;
	s10 =	simm.s32 $0x7A1400;
	v1 =	vsel vm1, $0x80, v1;
	v2 =	vsel vm1, $0x2080, v2  }
0x6: {  	vm5 =	vcmask $0x1310;
	s11 =	simm.s32 $0x400;
	s12 =	simm.s32 $0x280;
	s13 =	simm.s32 $0x1280;
	v1 =	vsel vm15, $0x100, v1;
	v2 =	vsel vm15, $0x2100, v2  }
0x7: {  	vm6 =	vcmask $0x1714;
	s14 =	simm.s32 $0x2280;
	s15 =	simm.s32 $0x3280;
	s16 =	simm.s32 $0x4280;
	v1 =	vsel vm4, $0x180, v1;
	v2 =	vsel vm4, $0x2180, v2  }
0x8: {  	vm7 =	vcmask $0x1B18;
	s17 =	simm.s32 $0x5280;
	s18 =	simm.s32 $0x6280;
	s19 =	simm.s32 $0x7280;
	v1 =	vsel vm5, $0x200, v1;
	v2 =	vsel vm5, $0x2200, v2  }
0x9: {  	vm8 =	vcmask $0x1F1C;
	s20 =	simm.s32 $0x1;
	s21 =	simm.s32 $0x9280;
	s22 =	simm.s32 $0x2;
	v1 =	vsel vm6, $0x280, v1;
	v2 =	vsel vm6, $0x2280, v2  }
0xa: {  	vm9 =	vcmask $0x2320;
	s23 =	simm.s32 $0x3;
	s28 =	simm.s32 $0x7;
	s29 =	simm.s32 $0x8;
	v1 =	vsel vm7, $0x300, v1;
	v2 =	vsel vm7, $0x2300, v2  }
0xb: {  	vm10 =	vcmask $0x2724;
	[smem:$0x7FF] =	sst s5;
	s4 =	sand.u32 $0x1, s4;
	s6 =	sshll.u32 s6, $0xA;
	v1 =	vsel vm8, $0x380, v1;
	v2 =	vsel vm8, $0x2380, v2  }
0xc: {  	vm11 =	vcmask $0x2B28;
	s2 =	sadd.s32 $0x400, s2;
	s24 =	ssub.s32 $0x2, s4;
	s4 =	sshll.u32 s4, $0x9;
	v1 =	vsel vm9, $0x1000, v1;
	v2 =	vsel vm9, $0x3000, v2  }
0xd: {  	vm12 =	vcmask $0x2F2C;
	_ =	strace $0x80000047;
	[dreg:$0x5] =	wrdreg s2;
	s7 =	sshrl.u32 s24, $0x1;
	v1 =	vsel vm10, $0x1080, v1;
	v2 =	vsel vm10, $0x3080, v2  }
.Ltmp0:
0xe: {  	vm13 =	vcmask $0x3330;
	s6 =	sor.u32 s4, s6;
	s25 =	ssub.s32 s24, s7;
	v1 =	vsel vm11, $0x1100, v1;
	v2 =	vsel vm11, $0x3100, v2;
	(pc) =	sbr.rel .LBB2_1-.Ltmp0, $4  }
0xf: {  	vm14 =	vcmask $0x3734;
	s26 =	sshrl.u32 s6, $0x3;
	s30 =	sadd.s32 s3, s6;
	s7 =	simm.s32 $0x9;
	v1 =	vsel vm12, $0x1180, v1;
	v2 =	vsel vm12, $0x3180, v2  }
0x10: {  	v0 =	vmul.u32 $0x80, v0;
	s24 =	simm.s32 $0x4;
	s1 =	sadd.s32 s1, s26;
	[dreg:$0x7] =	wrdreg s30;
	v1 =	vsel vm13, $0x1200, v1;
	v2 =	vsel vm13, $0x3200, v2  }
0x11: {  	vm15 =	vcmask $0x3B38;
	s31 =	smax.u32 s25, $0x1;
	s25 =	simm.s32 $0x5;
	[dreg:$0x6] =	wrdreg s1;
	v1 =	vsel vm14, $0x1280, v1;
	v3 =	vsel vm14, $0x3280, v2  }
0x12: {  	s26 =	simm.s32 $0x6;
	[dreg:$0x8] =	wrdreg s31;
	s1 =	simm.s32 $0x0;
	v2 =	vor.u32 $0x800, v0;
	v1 =	vsel vm15, $0x1300, v1;
	v3 =	vsel vm15, $0x3300, v3  }
.LBB2_4:
0x13: {  	s2 =	rddreg [dreg:$0x7];
	s3 =	simm.s32 $0x1000;
	s4 =	simm.s32 $0x20000  }
0x14: {  	[hbm4b:s2+s3] =	stream.strided.scatter [tilespmem:s21], [sflag:$0x9], $0x4000, s4, s3, $0x38;
	[tilespmem:$0xD280] =	vst v63  }
0x15: {  	_ =	swait.ge [sflag:s7], $0x4000  }
0x16: {  	s1 =	sadd.s32 $0x1, s1;
	s31 =	rddreg [dreg:$0x8]  }
0x17: {  	p0 =	sne.s32 s1, s31  }
.Ltmp1:
0x18: {  	_ = 	snop;
	(pc) =	sbr.rel @!p0 .LBB2_5-.Ltmp1, $3  }
0x19: {  	_ =	sdelay $0x1  }
0x1a: {  	[sflag:s7] =	ssyncset.done $0x0  }
0x1b: {  	[sflag:s7] =	ssyncadd.s32 $0xFFFFC000  }
.LBB2_1:
0x1c: {  	s2 =	simm.s32 $0x0;
	s3 =	rddreg [dreg:$0x6]  }
0x1d: {  	[tilespmem:s2], [sflag:$0x9] =	stream.linear.gather [hbm4b:s3+s2], $0x200, $0x38;
	[tilespmem:$0xD280] =	vst v63  }
0x1e: {  	_ =	swait.ge [sflag:s7], $0x200  }
0x1f: {  	[sflag:s7] =	ssyncset.done $0x0  }
0x20: {  	s6 =	rddreg [dreg:$0x5];
	[sflag:s7] =	ssyncadd.s32 $0xFFFFFE00  }
0x21: {  	[tilespmem:s9], [sflag:$0x9] =	stream.linear.gather [hbm4b:s6+s2], $0x1000, $0x38;
	[tilespmem:$0xD280] =	vst v63  }
0x22: {  	_ =	swait.ge [sflag:s7], $0x1000  }
0x23: {  	[sflag:s7] =	ssyncset.done $0x0  }
0x24: {  	[sflag:s7] =	ssyncadd.s32 $0xFFFFF000  }
0x25: {  	v4 =	vld [tilespmem:$0x0];
	_ =	sdelay $0x4  }
0x26: {  	(v2sf) =	vpush v4, $0x0;
	_ =	sdelay $0xe  }
0x27: {  	s8 =	spop (v2sf)  }
0x28: {  	s2 =	sand.u32 $0xFFFFFF80, s8  }
0x29: {  	p0 =	slt.s32 s2, $0xF4180  }
0x2a: {  	s2 =	simm.s32 @!p0 $0xF4180  }
0x2b: {  	s2 =	sadd.s32 s0, s2  }
0x2c: {  	[tilespmem:s12], [sflag:$0x1] =	stream.strided.gather [hbm4b:s2+s11], $0x1000, s10, s11, $0x38;
	[tilespmem:$0xD280] =	vst v63  }
0x2d: {  	v4 =	vld [tilespmem:$0x1];
	_ =	sdelay $0x4  }
0x2e: {  	(v2sf) =	vpush v4, $0x0;
	_ =	sdelay $0xe  }
0x2f: {  	s31 =	spop (v2sf)  }
0x30: {  	s2 =	sand.u32 $0xFFFFFF80, s31  }
0x31: {  	p0 =	slt.s32 s2, $0xF4180  }
0x32: {  	s2 =	simm.s32 @!p0 $0xF4180  }
0x33: {  	s2 =	sadd.s32 s0, s2  }
0x34: {  	[tilespmem:s13], [sflag:$0x2] =	stream.strided.gather [hbm4b:s2+s11], $0x1000, s10, s11, $0x38;
	[tilespmem:$0xD280] =	vst v63  }
0x35: {  	v4 =	vld [tilespmem:$0x2];
	_ =	sdelay $0x4  }
0x36: {  	(v2sf) =	vpush v4, $0x0;
	_ =	sdelay $0xe  }
0x37: {  	s3 =	spop (v2sf)  }
0x38: {  	s2 =	sand.u32 $0xFFFFFF80, s3  }
0x39: {  	p0 =	slt.s32 s2, $0xF4180  }
0x3a: {  	s2 =	simm.s32 @!p0 $0xF4180  }
0x3b: {  	s2 =	sadd.s32 s0, s2  }
0x3c: {  	[tilespmem:s14], [sflag:$0x3] =	stream.strided.gather [hbm4b:s2+s11], $0x1000, s10, s11, $0x38;
	[tilespmem:$0xD280] =	vst v63  }
0x3d: {  	v4 =	vld [tilespmem:$0x3];
	_ =	sdelay $0x4  }
0x3e: {  	(v2sf) =	vpush v4, $0x0;
	_ =	sdelay $0xe  }
0x3f: {  	s4 =	spop (v2sf)  }
0x40: {  	s2 =	sand.u32 $0xFFFFFF80, s4  }
0x41: {  	p0 =	slt.s32 s2, $0xF4180  }
0x42: {  	s2 =	simm.s32 @!p0 $0xF4180  }
0x43: {  	s2 =	sadd.s32 s0, s2  }
0x44: {  	[tilespmem:s15], [sflag:$0x4] =	stream.strided.gather [hbm4b:s2+s11], $0x1000, s10, s11, $0x38;
	[tilespmem:$0xD280] =	vst v63  }
0x45: {  	v4 =	vld [tilespmem:$0x4];
	_ =	sdelay $0x4  }
0x46: {  	(v2sf) =	vpush v4, $0x0;
	_ =	sdelay $0xe  }
0x47: {  	s5 =	spop (v2sf)  }
0x48: {  	s2 =	sand.u32 $0xFFFFFF80, s5  }
0x49: {  	p0 =	slt.s32 s2, $0xF4180  }
0x4a: {  	s2 =	simm.s32 @!p0 $0xF4180  }
0x4b: {  	s2 =	sadd.s32 s0, s2  }
0x4c: {  	[tilespmem:s16], [sflag:$0x5] =	stream.strided.gather [hbm4b:s2+s11], $0x1000, s10, s11, $0x38;
	[tilespmem:$0xD280] =	vst v63  }
0x4d: {  	v4 =	vld [tilespmem:$0x5];
	_ =	sdelay $0x4  }
0x4e: {  	(v2sf) =	vpush v4, $0x0;
	_ =	sdelay $0xe  }
0x4f: {  	s6 =	spop (v2sf)  }
0x50: {  	s2 =	sand.u32 $0xFFFFFF80, s6  }
0x51: {  	p0 =	slt.s32 s2, $0xF4180  }
0x52: {  	s2 =	simm.s32 @!p0 $0xF4180  }
0x53: {  	s2 =	sadd.s32 s0, s2  }
0x54: {  	[tilespmem:s17], [sflag:$0x6] =	stream.strided.gather [hbm4b:s2+s11], $0x1000, s10, s11, $0x38;
	[tilespmem:$0xD280] =	vst v63  }
0x55: {  	v4 =	vld [tilespmem:$0x6];
	_ =	sdelay $0x4  }
0x56: {  	(v2sf) =	vpush v4, $0x0;
	_ =	sdelay $0xe  }
0x57: {  	s8 =	spop (v2sf)  }
0x58: {  	s2 =	sand.u32 $0xFFFFFF80, s8  }
0x59: {  	p0 =	slt.s32 s2, $0xF4180  }
0x5a: {  	s2 =	simm.s32 @!p0 $0xF4180  }
0x5b: {  	s2 =	sadd.s32 s0, s2  }
0x5c: {  	[tilespmem:s18], [sflag:$0x7] =	stream.strided.gather [hbm4b:s2+s11], $0x1000, s10, s11, $0x38;
	[tilespmem:$0xD280] =	vst v63  }
0x5d: {  	v4 =	vld [tilespmem:$0x7];
	_ =	sdelay $0x4  }
0x5e: {  	(v2sf) =	vpush v4, $0x0;
	_ =	sdelay $0xe  }
0x5f: {  	s31 =	spop (v2sf)  }
0x60: {  	s2 =	sand.u32 $0xFFFFFF80, s31  }
0x61: {  	p0 =	slt.s32 s2, $0xF4180  }
0x62: {  	s2 =	simm.s32 @!p0 $0xF4180  }
0x63: {  	s30 =	simm.s32 $0x7;
	s3 =	simm.s32 $0x8;
	s2 =	sadd.s32 s0, s2  }
0x64: {  	[tilespmem:s19], [sflag:$0x8] =	stream.strided.gather [hbm4b:s2+s11], $0x1000, s10, s11, $0x38;
	[tilespmem:$0xD280] =	vst v63  }
.LBB2_2:
0x65: {  	_ =	swait.ge [sflag:s20], $0x1000  }
0x66: {  	[sflag:s20] =	ssyncset.done $0x0  }
0x67: {  	[sflag:s20] =	ssyncadd.s32 $0xFFFFF000  }
0x68: {  	v4 =	vld [tilespmem:s3+$0xFFFFFFF8];
	_ =	sdelay $0x4  }
0x69: {  	(v2sf) =	vpush v4, $0x0;
	_ =	sdelay $0xe  }
0x6a: {  	s2 =	spop (v2sf)  }
0x6b: {  	s31 =	sand.u32 $0xFFFFFF80, s2  }
0x6c: {  	s4 =	sadd.s32 $0xFFF0BE00, s2;
	p0 =	slt.s32 s31, $0xF4180  }
0x6d: {  	p1 =	sgt.s32 s4, $0x0;
	s31 =	simm.s32 @!p0 $0xF4180  }
0x6e: {  	s4 =	simm.s32 @!p1 $0x0;
	s31 =	ssub.s32 s2, s31  }
0x6f: {  	s4 =	smin.u32 s4, $0x3F;
	p0 =	slt.s32 s31, $0x7F  }
0x70: {  	v5 =	vor.u32 s4, v0;
	s31 =	simm.s32 @!p0 $0x7F  }
0x71: {  	v4 =	vadd.s32 s31, v0  }
0x72: {  	s5 =	sadd.s32 $0xFFFFFFF9, s30  }
0x73: {  	v6 =	vmov s5  }
0x74: {  	v7 =	vshll.u32 v6, $0x3  }
0x75: {  	v6 =	vand.u32 $0x78, v6;
	v7 =	vand.u32 $0xC00, v7;
	v5 =	vld.idx.msk [tilespmem:v5+s9+$0x0], $0xffff  }
0x76: {  	v6 =	vor.u32 v6, v7;
	v4 =	vld.idx.msk [tilespmem:v4+s12+$0x0], $0xffff  }
0x77: {  	v7 =	vor.u32 v1, v6  }
0x78: {  	v8 =	vadd.s32 s31, v2  }
0x79: {  	v9 =	vor.u32 s4, v2  }
0x7a: {  	p4 =	sgt.s32 s2, $0xF41FF  }
0x7b: {  	v4 =	vpsel p4, v5, v4  }
0x7c: {  	[tilespmem:v7+s21+$0x0] =	vst.idx.msk $0xffff, v4  }
0x7d: {  	v4 =	vld.idx.msk [tilespmem:v8+s12+$0x0], $0xffff  }
0x7e: {  	v5 =	vld.idx.msk [tilespmem:v9+s9+$0x0], $0xffff  }
0x7f: {  	v6 =	vor.u32 v3, v6;
	_ =	sdelay $0x3  }
0x80: {  	v4 =	vpsel p4, v5, v4  }
0x81: {  	p0 =	seq.s32 s30, $0x1FF;
	[tilespmem:v6+s21+$0x0] =	vst.idx.msk $0xffff, v4  }
0x82: {  	v4 =	vld @!p0 [tilespmem:s3+$0x0];
	_ =	sdelay $0x4  }
0x83: {  	(v2sf) =	vpush @!p0 v4, $0x0;
	_ =	sdelay $0xe  }
0x84: {  	s2 =	spop @!p0 (v2sf)  }
0x85: {  	s2 =	sand.u32 @!p0 $0xFFFFFF80, s2  }
0x86: {  	p1 =	slt.s32 @!p0 s2, $0xF4180  }
0x87: {  	p1 =	por !p1, p0  }
0x88: {  	s31 =	simm.s32 @!p0 $0x400;
	s2 =	simm.s32 @p1 $0xF4180  }
0x89: {  	s5 =	simm.s32 @!p0 $0x280;
	s4 =	sadd.s32 @!p0 s0, s2;
	s2 =	simm.s32 @!p0 $0x7A1400  }
0x8a: {  	[tilespmem:s5], [sflag:$0x1] =	stream.strided.gather @!p0 [hbm4b:s4+s31], $0x1000, s2, s31, $0x38;
	[tilespmem:$0xD280] =	vst v63  }
0x8b: {  	_ =	swait.ge [sflag:s22], $0x1000  }
0x8c: {  	[sflag:s22] =	ssyncset.done $0x0  }
0x8d: {  	[sflag:s22] =	ssyncadd.s32 $0xFFFFF000  }
0x8e: {  	v4 =	vld [tilespmem:s3+$0xFFFFFFF9];
	_ =	sdelay $0x4  }
0x8f: {  	(v2sf) =	vpush v4, $0x0;
	_ =	sdelay $0xe  }
0x90: {  	s4 =	spop (v2sf)  }
0x91: {  	s5 =	sand.u32 $0xFFFFFF80, s4  }
0x92: {  	s6 =	sadd.s32 $0xFFF0BE00, s4;
	p1 =	slt.s32 s5, $0xF4180  }
0x93: {  	p2 =	sgt.s32 s6, $0x0;
	s5 =	simm.s32 @!p1 $0xF4180  }
0x94: {  	s6 =	simm.s32 @!p2 $0x0;
	s5 =	ssub.s32 s4, s5  }
0x95: {  	s6 =	smin.u32 s6, $0x3F;
	p1 =	slt.s32 s5, $0x7F  }
0x96: {  	v5 =	vor.u32 s6, v0;
	s5 =	simm.s32 @!p1 $0x7F  }
0x97: {  	v4 =	vadd.s32 s5, v0  }
0x98: {  	s8 =	sadd.s32 $0xFFFFFFFA, s30  }
0x99: {  	v36 =	vmov s8  }
0x9a: {  	v37 =	vshll.u32 v36, $0x3  }
0x9b: {  	v7 =	vand.u32 $0xC00, v37;
	v6 =	vand.u32 $0x79, v36;
	v5 =	vld.idx.msk [tilespmem:v5+s9+$0x0], $0xffff  }
0x9c: {  	v6 =	vor.u32 v6, v7;
	v4 =	vld.idx.msk [tilespmem:v4+s13+$0x0], $0xffff  }
0x9d: {  	v7 =	vor.u32 v1, v6  }
0x9e: {  	v38 =	vadd.s32 s5, v2  }
0x9f: {  	v39 =	vor.u32 s6, v2  }
0xa0: {  	p5 =	sgt.s32 s4, $0xF41FF  }
0xa1: {  	v4 =	vpsel p5, v5, v4  }
0xa2: {  	[tilespmem:v7+s21+$0x0] =	vst.idx.msk $0xffff, v4  }
0xa3: {  	v4 =	vld.idx.msk [tilespmem:v38+s13+$0x0], $0xffff  }
0xa4: {  	v5 =	vld.idx.msk [tilespmem:v39+s9+$0x0], $0xffff  }
0xa5: {  	v6 =	vor.u32 v3, v6;
	_ =	sdelay $0x3  }
0xa6: {  	v4 =	vpsel p5, v5, v4  }
0xa7: {  	[tilespmem:v6+s21+$0x0] =	vst.idx.msk $0xffff, v4  }
0xa8: {  	v4 =	vld @!p0 [tilespmem:s3+$0x1];
	_ =	sdelay $0x4  }
0xa9: {  	(v2sf) =	vpush @!p0 v4, $0x0;
	_ =	sdelay $0xe  }
0xaa: {  	s4 =	spop @!p0 (v2sf)  }
0xab: {  	s4 =	sand.u32 @!p0 $0xFFFFFF80, s4  }
0xac: {  	p1 =	slt.s32 @!p0 s4, $0xF4180  }
0xad: {  	p1 =	por !p1, p0  }
0xae: {  	s4 =	simm.s32 @p1 $0xF4180  }
0xaf: {  	s5 =	simm.s32 @!p0 $0x1280;
	s4 =	sadd.s32 @!p0 s0, s4  }
0xb0: {  	[tilespmem:s5], [sflag:$0x2] =	stream.strided.gather @!p0 [hbm4b:s4+s31], $0x1000, s2, s31, $0x38;
	[tilespmem:$0xD280] =	vst v63  }
0xb1: {  	_ =	swait.ge [sflag:s23], $0x1000  }
0xb2: {  	[sflag:s23] =	ssyncset.done $0x0  }
0xb3: {  	[sflag:s23] =	ssyncadd.s32 $0xFFFFF000  }
0xb4: {  	v4 =	vld [tilespmem:s3+$0xFFFFFFFA];
	_ =	sdelay $0x4  }
0xb5: {  	(v2sf) =	vpush v4, $0x0;
	_ =	sdelay $0xe  }
0xb6: {  	s4 =	spop (v2sf)  }
0xb7: {  	s5 =	sand.u32 $0xFFFFFF80, s4  }
0xb8: {  	s6 =	sadd.s32 $0xFFF0BE00, s4;
	p1 =	slt.s32 s5, $0xF4180  }
0xb9: {  	p2 =	sgt.s32 s6, $0x0;
	s5 =	simm.s32 @!p1 $0xF4180  }
0xba: {  	s6 =	simm.s32 @!p2 $0x0;
	s5 =	ssub.s32 s4, s5  }
0xbb: {  	s6 =	smin.u32 s6, $0x3F;
	p1 =	slt.s32 s5, $0x7F  }
0xbc: {  	v5 =	vor.u32 s6, v0;
	s5 =	simm.s32 @!p1 $0x7F  }
0xbd: {  	v4 =	vadd.s32 s5, v0  }
0xbe: {  	s8 =	sadd.s32 $0xFFFFFFFB, s30  }
0xbf: {  	v40 =	vmov s8  }
0xc0: {  	v41 =	vshll.u32 v40, $0x3  }
0xc1: {  	v7 =	vand.u32 $0xC00, v41;
	v6 =	vand.u32 $0x7A, v40;
	v5 =	vld.idx.msk [tilespmem:v5+s9+$0x0], $0xffff  }
0xc2: {  	v6 =	vor.u32 v6, v7;
	v4 =	vld.idx.msk [tilespmem:v4+s14+$0x0], $0xffff  }
0xc3: {  	v7 =	vor.u32 v1, v6  }
0xc4: {  	v42 =	vadd.s32 s5, v2  }
0xc5: {  	v43 =	vor.u32 s6, v2  }
0xc6: {  	p6 =	sgt.s32 s4, $0xF41FF  }
0xc7: {  	v4 =	vpsel p6, v5, v4  }
0xc8: {  	[tilespmem:v7+s21+$0x0] =	vst.idx.msk $0xffff, v4  }
0xc9: {  	v4 =	vld.idx.msk [tilespmem:v42+s14+$0x0], $0xffff  }
0xca: {  	v5 =	vld.idx.msk [tilespmem:v43+s9+$0x0], $0xffff  }
0xcb: {  	v6 =	vor.u32 v3, v6;
	_ =	sdelay $0x3  }
0xcc: {  	v4 =	vpsel p6, v5, v4  }
0xcd: {  	[tilespmem:v6+s21+$0x0] =	vst.idx.msk $0xffff, v4  }
0xce: {  	v4 =	vld @!p0 [tilespmem:s3+$0x2];
	_ =	sdelay $0x4  }
0xcf: {  	(v2sf) =	vpush @!p0 v4, $0x0;
	_ =	sdelay $0xe  }
0xd0: {  	s4 =	spop @!p0 (v2sf)  }
0xd1: {  	s4 =	sand.u32 @!p0 $0xFFFFFF80, s4  }
0xd2: {  	p1 =	slt.s32 @!p0 s4, $0xF4180  }
0xd3: {  	p1 =	por !p1, p0  }
0xd4: {  	s4 =	simm.s32 @p1 $0xF4180  }
0xd5: {  	s5 =	simm.s32 @!p0 $0x2280;
	s4 =	sadd.s32 @!p0 s0, s4  }
0xd6: {  	[tilespmem:s5], [sflag:$0x3] =	stream.strided.gather @!p0 [hbm4b:s4+s31], $0x1000, s2, s31, $0x38;
	[tilespmem:$0xD280] =	vst v63  }
0xd7: {  	_ =	swait.ge [sflag:s24], $0x1000  }
0xd8: {  	[sflag:s24] =	ssyncset.done $0x0  }
0xd9: {  	[sflag:s24] =	ssyncadd.s32 $0xFFFFF000  }
0xda: {  	v4 =	vld [tilespmem:s3+$0xFFFFFFFB];
	_ =	sdelay $0x4  }
0xdb: {  	(v2sf) =	vpush v4, $0x0;
	_ =	sdelay $0xe  }
0xdc: {  	s4 =	spop (v2sf)  }
0xdd: {  	s5 =	sand.u32 $0xFFFFFF80, s4  }
0xde: {  	s6 =	sadd.s32 $0xFFF0BE00, s4;
	p1 =	slt.s32 s5, $0xF4180  }
0xdf: {  	p2 =	sgt.s32 s6, $0x0;
	s5 =	simm.s32 @!p1 $0xF4180  }
0xe0: {  	s6 =	simm.s32 @!p2 $0x0;
	s5 =	ssub.s32 s4, s5  }
0xe1: {  	s6 =	smin.u32 s6, $0x3F;
	p1 =	slt.s32 s5, $0x7F  }
0xe2: {  	v5 =	vor.u32 s6, v0;
	s5 =	simm.s32 @!p1 $0x7F  }
0xe3: {  	v4 =	vadd.s32 s5, v0  }
0xe4: {  	s8 =	sadd.s32 $0xFFFFFFFC, s30  }
0xe5: {  	v44 =	vmov s8  }
0xe6: {  	v45 =	vshll.u32 v44, $0x3  }
0xe7: {  	v7 =	vand.u32 $0xC00, v45;
	v6 =	vand.u32 $0x7B, v44;
	v5 =	vld.idx.msk [tilespmem:v5+s9+$0x0], $0xffff  }
0xe8: {  	v6 =	vor.u32 v6, v7;
	v4 =	vld.idx.msk [tilespmem:v4+s15+$0x0], $0xffff  }
0xe9: {  	v7 =	vor.u32 v1, v6  }
0xea: {  	v46 =	vadd.s32 s5, v2  }
0xeb: {  	v47 =	vor.u32 s6, v2  }
0xec: {  	p2 =	sgt.s32 s4, $0xF41FF  }
0xed: {  	v4 =	vpsel p2, v5, v4  }
0xee: {  	[tilespmem:v7+s21+$0x0] =	vst.idx.msk $0xffff, v4  }
0xef: {  	v4 =	vld.idx.msk [tilespmem:v46+s15+$0x0], $0xffff  }
0xf0: {  	v5 =	vld.idx.msk [tilespmem:v47+s9+$0x0], $0xffff  }
0xf1: {  	v6 =	vor.u32 v3, v6;
	_ =	sdelay $0x3  }
0xf2: {  	v4 =	vpsel p2, v5, v4  }
0xf3: {  	[tilespmem:v6+s21+$0x0] =	vst.idx.msk $0xffff, v4  }
0xf4: {  	v4 =	vld @!p0 [tilespmem:s3+$0x3];
	_ =	sdelay $0x4  }
0xf5: {  	(v2sf) =	vpush @!p0 v4, $0x0;
	_ =	sdelay $0xe  }
0xf6: {  	s4 =	spop @!p0 (v2sf)  }
0xf7: {  	s4 =	sand.u32 @!p0 $0xFFFFFF80, s4  }
0xf8: {  	p1 =	slt.s32 @!p0 s4, $0xF4180  }
0xf9: {  	p1 =	por !p1, p0  }
0xfa: {  	s4 =	simm.s32 @p1 $0xF4180  }
0xfb: {  	s5 =	simm.s32 @!p0 $0x3280;
	s4 =	sadd.s32 @!p0 s0, s4  }
0xfc: {  	[tilespmem:s5], [sflag:$0x4] =	stream.strided.gather @!p0 [hbm4b:s4+s31], $0x1000, s2, s31, $0x38;
	[tilespmem:$0xD280] =	vst v63  }
0xfd: {  	_ =	swait.ge [sflag:s25], $0x1000  }
0xfe: {  	[sflag:s25] =	ssyncset.done $0x0  }
0xff: {  	[sflag:s25] =	ssyncadd.s32 $0xFFFFF000  }
0x100: {  	v4 =	vld [tilespmem:s3+$0xFFFFFFFC];
	_ =	sdelay $0x4  }
0x101: {  	(v2sf) =	vpush v4, $0x0;
	_ =	sdelay $0xe  }
0x102: {  	s4 =	spop (v2sf)  }
0x103: {  	s5 =	sand.u32 $0xFFFFFF80, s4  }
0x104: {  	s6 =	sadd.s32 $0xFFF0BE00, s4;
	p1 =	slt.s32 s5, $0xF4180  }
0x105: {  	p2 =	sgt.s32 s6, $0x0;
	s5 =	simm.s32 @!p1 $0xF4180  }
0x106: {  	s6 =	simm.s32 @!p2 $0x0;
	s5 =	ssub.s32 s4, s5  }
0x107: {  	s6 =	smin.u32 s6, $0x3F;
	p1 =	slt.s32 s5, $0x7F  }
0x108: {  	v5 =	vor.u32 s6, v0;
	s5 =	simm.s32 @!p1 $0x7F  }
0x109: {  	v4 =	vadd.s32 s5, v0  }
0x10a: {  	s8 =	sadd.s32 $0xFFFFFFFD, s30  }
0x10b: {  	v48 =	vmov s8  }
0x10c: {  	v49 =	vshll.u32 v48, $0x3  }
0x10d: {  	v7 =	vand.u32 $0xC00, v49;
	v6 =	vand.u32 $0x7C, v48;
	v5 =	vld.idx.msk [tilespmem:v5+s9+$0x0], $0xffff  }
0x10e: {  	v6 =	vor.u32 v6, v7;
	v4 =	vld.idx.msk [tilespmem:v4+s16+$0x0], $0xffff  }
0x10f: {  	v7 =	vor.u32 v1, v6  }
0x110: {  	v50 =	vadd.s32 s5, v2  }
0x111: {  	v51 =	vor.u32 s6, v2  }
0x112: {  	p3 =	sgt.s32 s4, $0xF41FF  }
0x113: {  	v4 =	vpsel p3, v5, v4  }
0x114: {  	[tilespmem:v7+s21+$0x0] =	vst.idx.msk $0xffff, v4  }
0x115: {  	v4 =	vld.idx.msk [tilespmem:v50+s16+$0x0], $0xffff  }
0x116: {  	v5 =	vld.idx.msk [tilespmem:v51+s9+$0x0], $0xffff  }
0x117: {  	v6 =	vor.u32 v3, v6;
	_ =	sdelay $0x3  }
0x118: {  	v4 =	vpsel p3, v5, v4  }
0x119: {  	[tilespmem:v6+s21+$0x0] =	vst.idx.msk $0xffff, v4  }
0x11a: {  	v4 =	vld @!p0 [tilespmem:s3+$0x4];
	_ =	sdelay $0x4  }
0x11b: {  	(v2sf) =	vpush @!p0 v4, $0x0;
	_ =	sdelay $0xe  }
0x11c: {  	s4 =	spop @!p0 (v2sf)  }
0x11d: {  	s4 =	sand.u32 @!p0 $0xFFFFFF80, s4  }
0x11e: {  	p1 =	slt.s32 @!p0 s4, $0xF4180  }
0x11f: {  	p1 =	por !p1, p0  }
0x120: {  	s4 =	simm.s32 @p1 $0xF4180  }
0x121: {  	s5 =	simm.s32 @!p0 $0x4280;
	s4 =	sadd.s32 @!p0 s0, s4  }
0x122: {  	[tilespmem:s5], [sflag:$0x5] =	stream.strided.gather @!p0 [hbm4b:s4+s31], $0x1000, s2, s31, $0x38;
	[tilespmem:$0xD280] =	vst v63  }
0x123: {  	_ =	swait.ge [sflag:s26], $0x1000  }
0x124: {  	[sflag:s26] =	ssyncset.done $0x0  }
0x125: {  	[sflag:s26] =	ssyncadd.s32 $0xFFFFF000  }
0x126: {  	v4 =	vld [tilespmem:s3+$0xFFFFFFFD];
	_ =	sdelay $0x4  }
0x127: {  	(v2sf) =	vpush v4, $0x0;
	_ =	sdelay $0xe  }
0x128: {  	s4 =	spop (v2sf)  }
0x129: {  	s5 =	sand.u32 $0xFFFFFF80, s4  }
0x12a: {  	s6 =	sadd.s32 $0xFFF0BE00, s4;
	p1 =	slt.s32 s5, $0xF4180  }
0x12b: {  	p2 =	sgt.s32 s6, $0x0;
	s5 =	simm.s32 @!p1 $0xF4180  }
0x12c: {  	s6 =	simm.s32 @!p2 $0x0;
	s5 =	ssub.s32 s4, s5  }
0x12d: {  	s6 =	smin.u32 s6, $0x3F;
	p1 =	slt.s32 s5, $0x7F  }
0x12e: {  	v5 =	vor.u32 s6, v0;
	s5 =	simm.s32 @!p1 $0x7F  }
0x12f: {  	v4 =	vadd.s32 s5, v0  }
0x130: {  	s8 =	sadd.s32 $0xFFFFFFFE, s30  }
0x131: {  	v52 =	vmov s8  }
0x132: {  	v53 =	vshll.u32 v52, $0x3  }
0x133: {  	v7 =	vand.u32 $0xC00, v53;
	v6 =	vand.u32 $0x7D, v52;
	v5 =	vld.idx.msk [tilespmem:v5+s9+$0x0], $0xffff  }
0x134: {  	v6 =	vor.u32 v6, v7;
	v4 =	vld.idx.msk [tilespmem:v4+s17+$0x0], $0xffff  }
0x135: {  	v7 =	vor.u32 v1, v6  }
0x136: {  	v54 =	vadd.s32 s5, v2  }
0x137: {  	v55 =	vor.u32 s6, v2  }
0x138: {  	p4 =	sgt.s32 s4, $0xF41FF  }
0x139: {  	v4 =	vpsel p4, v5, v4  }
0x13a: {  	[tilespmem:v7+s21+$0x0] =	vst.idx.msk $0xffff, v4  }
0x13b: {  	v4 =	vld.idx.msk [tilespmem:v54+s17+$0x0], $0xffff  }
0x13c: {  	v5 =	vld.idx.msk [tilespmem:v55+s9+$0x0], $0xffff  }
0x13d: {  	v6 =	vor.u32 v3, v6;
	_ =	sdelay $0x3  }
0x13e: {  	v4 =	vpsel p4, v5, v4  }
0x13f: {  	[tilespmem:v6+s21+$0x0] =	vst.idx.msk $0xffff, v4  }
0x140: {  	v4 =	vld @!p0 [tilespmem:s3+$0x5];
	_ =	sdelay $0x4  }
0x141: {  	(v2sf) =	vpush @!p0 v4, $0x0;
	_ =	sdelay $0xe  }
0x142: {  	s4 =	spop @!p0 (v2sf)  }
0x143: {  	s4 =	sand.u32 @!p0 $0xFFFFFF80, s4  }
0x144: {  	p1 =	slt.s32 @!p0 s4, $0xF4180  }
0x145: {  	p1 =	por !p1, p0  }
0x146: {  	s4 =	simm.s32 @p1 $0xF4180  }
0x147: {  	s5 =	simm.s32 @!p0 $0x5280;
	s4 =	sadd.s32 @!p0 s0, s4  }
0x148: {  	[tilespmem:s5], [sflag:$0x6] =	stream.strided.gather @!p0 [hbm4b:s4+s31], $0x1000, s2, s31, $0x38;
	[tilespmem:$0xD280] =	vst v63  }
0x149: {  	_ =	swait.ge [sflag:s28], $0x1000  }
0x14a: {  	[sflag:s28] =	ssyncset.done $0x0  }
0x14b: {  	[sflag:s28] =	ssyncadd.s32 $0xFFFFF000  }
0x14c: {  	v4 =	vld [tilespmem:s3+$0xFFFFFFFE];
	_ =	sdelay $0x4  }
0x14d: {  	(v2sf) =	vpush v4, $0x0;
	_ =	sdelay $0xe  }
0x14e: {  	s4 =	spop (v2sf)  }
0x14f: {  	s5 =	sand.u32 $0xFFFFFF80, s4  }
0x150: {  	s6 =	sadd.s32 $0xFFF0BE00, s4;
	p1 =	slt.s32 s5, $0xF4180  }
0x151: {  	p2 =	sgt.s32 s6, $0x0;
	s5 =	simm.s32 @!p1 $0xF4180  }
0x152: {  	s6 =	simm.s32 @!p2 $0x0;
	s5 =	ssub.s32 s4, s5  }
0x153: {  	s6 =	smin.u32 s6, $0x3F;
	p1 =	slt.s32 s5, $0x7F  }
0x154: {  	v5 =	vor.u32 s6, v0;
	s5 =	simm.s32 @!p1 $0x7F  }
0x155: {  	v4 =	vadd.s32 s5, v0  }
0x156: {  	s8 =	sadd.s32 $0xFFFFFFFF, s30  }
0x157: {  	v56 =	vmov s8  }
0x158: {  	v57 =	vshll.u32 v56, $0x3  }
0x159: {  	v7 =	vand.u32 $0xC00, v57;
	v6 =	vand.u32 $0x7E, v56;
	v5 =	vld.idx.msk [tilespmem:v5+s9+$0x0], $0xffff  }
0x15a: {  	v6 =	vor.u32 v6, v7;
	v4 =	vld.idx.msk [tilespmem:v4+s18+$0x0], $0xffff  }
0x15b: {  	v7 =	vor.u32 v1, v6  }
0x15c: {  	v58 =	vadd.s32 s5, v2  }
0x15d: {  	v59 =	vor.u32 s6, v2  }
0x15e: {  	p5 =	sgt.s32 s4, $0xF41FF  }
0x15f: {  	v4 =	vpsel p5, v5, v4  }
0x160: {  	[tilespmem:v7+s21+$0x0] =	vst.idx.msk $0xffff, v4  }
0x161: {  	v4 =	vld.idx.msk [tilespmem:v58+s18+$0x0], $0xffff  }
0x162: {  	v5 =	vld.idx.msk [tilespmem:v59+s9+$0x0], $0xffff  }
0x163: {  	v6 =	vor.u32 v3, v6;
	_ =	sdelay $0x3  }
0x164: {  	v4 =	vpsel p5, v5, v4  }
0x165: {  	[tilespmem:v6+s21+$0x0] =	vst.idx.msk $0xffff, v4  }
0x166: {  	v4 =	vld @!p0 [tilespmem:s3+$0x6];
	_ =	sdelay $0x4  }
0x167: {  	(v2sf) =	vpush @!p0 v4, $0x0;
	_ =	sdelay $0xe  }
0x168: {  	s4 =	spop @!p0 (v2sf)  }
0x169: {  	s4 =	sand.u32 @!p0 $0xFFFFFF80, s4  }
0x16a: {  	p1 =	slt.s32 @!p0 s4, $0xF4180  }
0x16b: {  	p1 =	por !p1, p0  }
0x16c: {  	s4 =	simm.s32 @p1 $0xF4180  }
0x16d: {  	s5 =	simm.s32 @!p0 $0x6280;
	s4 =	sadd.s32 @!p0 s0, s4  }
0x16e: {  	[tilespmem:s5], [sflag:$0x7] =	stream.strided.gather @!p0 [hbm4b:s4+s31], $0x1000, s2, s31, $0x38;
	[tilespmem:$0xD280] =	vst v63  }
0x16f: {  	_ =	swait.ge [sflag:s29], $0x1000  }
0x170: {  	[sflag:s29] =	ssyncset.done $0x0  }
0x171: {  	[sflag:s29] =	ssyncadd.s32 $0xFFFFF000  }
0x172: {  	v4 =	vld [tilespmem:s3+$0xFFFFFFFF];
	_ =	sdelay $0x4  }
0x173: {  	(v2sf) =	vpush v4, $0x0;
	_ =	sdelay $0xe  }
0x174: {  	s31 =	spop (v2sf)  }
0x175: {  	s4 =	sand.u32 $0xFFFFFF80, s31  }
0x176: {  	s5 =	sadd.s32 $0xFFF0BE00, s31;
	p1 =	slt.s32 s4, $0xF4180  }
0x177: {  	p2 =	sgt.s32 s5, $0x0;
	s4 =	simm.s32 @!p1 $0xF4180  }
0x178: {  	s5 =	simm.s32 @!p2 $0x0;
	s4 =	ssub.s32 s31, s4  }
0x179: {  	s5 =	smin.u32 s5, $0x3F;
	p1 =	slt.s32 s4, $0x7F  }
0x17a: {  	v5 =	vor.u32 s5, v0;
	s4 =	simm.s32 @!p1 $0x7F  }
0x17b: {  	v4 =	vadd.s32 s4, v0;
	_ =	sdelay $0x1  }
0x17c: {  	v60 =	vmov s30  }
0x17d: {  	v61 =	vshll.u32 v60, $0x3  }
0x17e: {  	v7 =	vand.u32 $0xC00, v61;
	v6 =	vand.u32 $0x7F, v60;
	v5 =	vld.idx.msk [tilespmem:v5+s9+$0x0], $0xffff  }
0x17f: {  	v6 =	vor.u32 v6, v7;
	v4 =	vld.idx.msk [tilespmem:v4+s19+$0x0], $0xffff  }
0x180: {  	v7 =	vor.u32 v1, v6  }
0x181: {  	v62 =	vadd.s32 s4, v2  }
0x182: {  	v63 =	vor.u32 s5, v2  }
0x183: {  	p6 =	sgt.s32 s31, $0xF41FF  }
0x184: {  	v4 =	vpsel p6, v5, v4  }
0x185: {  	[tilespmem:v7+s21+$0x0] =	vst.idx.msk $0xffff, v4  }
0x186: {  	v4 =	vld.idx.msk [tilespmem:v62+s19+$0x0], $0xffff  }
0x187: {  	v5 =	vld.idx.msk [tilespmem:v63+s9+$0x0], $0xffff  }
0x188: {  	v6 =	vor.u32 v3, v6  }
.Ltmp2:
0x189: {  	_ = 	snop;
	(pc) =	sbr.rel @p0 .LBB2_4-.Ltmp2, $3  }
0x18a: {  	_ =	sdelay $0x1  }
0x18b: {  	v4 =	vpsel p6, v5, v4  }
0x18c: {  	[tilespmem:v6+s21+$0x0] =	vst.idx.msk $0xffff, v4  }
0x18d: {  	v4 =	vld [tilespmem:s3+$0x7];
	_ =	sdelay $0x4  }
0x18e: {  	(v2sf) =	vpush v4, $0x0;
	_ =	sdelay $0xe  }
0x18f: {  	s2 =	spop (v2sf)  }
.Ltmp3:
0x190: {  	s2 =	sand.u32 $0xFFFFFF80, s2;
	(pc) =	sbr.rel .LBB2_2-.Ltmp3, $4  }
0x191: {  	p0 =	slt.s32 s2, $0xF4180  }
0x192: {  	s2 =	simm.s32 @!p0 $0xF4180  }
0x193: {  	s30 =	sadd.s32 $0x8, s30;
	s3 =	sadd.s32 $0x8, s3;
	s2 =	sadd.s32 s0, s2  }
0x194: {  	[tilespmem:s19], [sflag:$0x8] =	stream.strided.gather [hbm4b:s2+s11], $0x1000, s10, s11, $0x38;
	[tilespmem:$0xD280] =	vst v63  }
.LBB2_5:
0x195: {  	_ =	sfence.sel $0x180000  }
0x196: {  	[bflag:$0x0] =	sbarrier.arrive $0xFFFF  }
0x197: {  	_ =	strace $0x90000047  }
0x198: {  	s0 =	stileid.u32;
	[bflag:$0x2] =	sbarrier.arrive $0xFFFF  }
0x199: {  	p0 =	sne.s32 s0, $0x0;
	s0 =	rddreg [dreg:$0x4]  }
0x19a: {  	s0 =	sadd.s32 @!p0 $0x100000, s0  }
0x19b: {  	[sflag:s0] =	ssyncadd.tile.s32 @!p0 $0x1;
	_ =	shalt  }
.Lfunc_end2:
_tile_overlayer_lowered:
.L_overlay_start_2:
0x19c: {  	(tag) =	ssettag $0x2  }
0x19d: {  	s0 =	rddreg [dreg:$0x0];
	s2 =	stileid.u32  }
0x19e: {  	s1 =	rddreg [dreg:$0x1];
	p0 =	sne.s32 s2, $0x0  }
0x19f: {  	s3 =	rddreg [dreg:$0x2];
	[bflag:$0x3] =	sbarrier.arrive $0xFFFF;
	s2 =	simm.s32 @!p0 $0x1C09  }
0x1a0: {  	[timem:s3], [sflag:s2] =	dma.local @!p0 [hbm:s0], s1  }
0x1a1: {  	s0 =	simm.s32 @!p0 $0x9  }
0x1a2: {  	_ =	swait.ge @!p0 [sflag:s0], s1  }
0x1a3: {  	s1 =	ssub.s32 @!p0 $0x0, s1;
	[sflag:s0] =	ssyncset.done @!p0 $0x0  }
0x1a4: {  	[sflag:s0] =	ssyncadd.s32 @!p0 s1  }
0x1a5: {  	[bflag:$0x3] =	sbarrier.arrive $0xFFFF  }
0x1a6: {  	_ =	shalt  }

</sc_bundles>
